<compile_context>
chip_gen: v7x
topology: tpu7x:2x2x1
jax: 0.10.2.dev20260603
libtpu: 0.0.44.dev20260713+nightly
codegen_flags: <defaults>
</compile_context>

<pallas_src>
import jax
import jax.numpy as jnp
from jax import lax
from jax.experimental import pallas as pl
from jax.experimental.pallas import tpu as pltpu
from jax.experimental.pallas import tpu_sc as plsc

NUM_FIELDS = 26
VOCAB = 100000
EMB = 32
BATCH = 16384
TOTAL_DIM = 39
RES = TOTAL_DIM - NUM_FIELDS
OUT_DIM = EMB + RES

NC = 2
NS = 16
NW = NC * NS
L = 16

QB = 4096
NQ = BATCH // QB
UNROLL = 16


def _emb_body(vft_hbm, tbl_hbm, out_hbm, vocab_v, acc_v, idx0_v, idx1_v,
              sem, sem2):
    e = lax.axis_index("s") * NC + lax.axis_index("c")
    idx_bufs = (idx0_v, idx1_v)

    def field_quarters(f, first):
        for q in range(NQ):
            buf = idx_bufs[q % 2]
            if q + 1 < NQ:
                nbuf = idx_bufs[(q + 1) % 2]
                pltpu.async_copy(
                    vft_hbm.at[f, pl.ds((q + 1) * QB, QB)], nbuf, sem2
                )

            @plsc.parallel_loop(0, QB // L, unroll=UNROLL)
            def gath(i, buf=buf, q=q):
                b = i * L
                ix = buf[pl.ds(b, L)].astype(jnp.int32)
                vals = plsc.load_gather(vocab_v, [ix])
                o = q * QB + b
                if first:
                    acc_v[pl.ds(o, L)] = vals
                else:
                    acc_v[pl.ds(o, L)] = acc_v[pl.ds(o, L)] + vals
            if q + 1 < NQ:
                pltpu.make_async_copy(
                    vft_hbm.at[f, pl.ds((q + 1) * QB, QB)], nbuf, sem2
                ).wait()

    def stage_field(f):
        pltpu.async_copy(tbl_hbm.at[f, e], vocab_v, sem)
        pltpu.async_copy(vft_hbm.at[f, pl.ds(0, QB)], idx0_v, sem2)
        pltpu.make_async_copy(tbl_hbm.at[f, e], vocab_v, sem).wait()
        pltpu.make_async_copy(
            vft_hbm.at[f, pl.ds(0, QB)], idx0_v, sem2
        ).wait()

    stage_field(0)
    field_quarters(0, True)

    def do_field(f, _):
        stage_field(f)
        field_quarters(f, False)
        return _

    lax.fori_loop(1, NUM_FIELDS, do_field, 0)

    pltpu.sync_copy(acc_v, out_hbm.at[e])

    @pl.when(e < RES)
    def _():
        pltpu.sync_copy(vft_hbm.at[NUM_FIELDS + e], acc_v)
        pltpu.sync_copy(acc_v, out_hbm.at[EMB + e])


@jax.jit
def _emb_kernel(vft, tbl_t):
    mesh = plsc.VectorSubcoreMesh(
        core_axis_name="c", subcore_axis_name="s", num_cores=NC, num_subcores=NS
    )
    out_t = pl.kernel(
        _emb_body,
        out_type=jax.ShapeDtypeStruct((OUT_DIM, BATCH), jnp.float32),
        mesh=mesh,
        compiler_params=pltpu.CompilerParams(
            needs_layout_passes=False, use_tc_tiling_on_sc=True
        ),
        scratch_types=[
            pltpu.VMEM((VOCAB,), jnp.float32),
            pltpu.VMEM((BATCH,), jnp.float32),
            pltpu.VMEM((QB,), jnp.float32),
            pltpu.VMEM((QB,), jnp.float32),
            pltpu.SemaphoreType.DMA,
            pltpu.SemaphoreType.DMA,
        ],
    )(vft, tbl_t)
    return out_t.T


def kernel(v_f, emb_tables):
    return _emb_kernel(v_f.T, emb_tables.transpose(0, 2, 1))

# --- scband reference (transcript-rebuilt; emitter-appended) ---
"""Pipeline reference for scband-embedding-layer-1245540515923 (READ-ONLY COPY).

The authoritative reference and input builder live on the scoring server;
editing this copy changes nothing except your own understanding.
"""

import jax, jax.numpy as jnp
import numpy as np

NUM_FIELDS = 26
VOCAB = 100000
EMB = 32
BATCH = 16384
TOTAL_DIM = 39


def setup_inputs(seed: int = 0) -> dict:
    key = jax.random.key(seed)
    k1, k2 = jax.random.split(key)
    # v_f mixes integer-valued index columns (first 26) with remaining 'dense' columns;
    # the torch module stores all of them in a single float tensor and does .long() on index cols.
    v_f = jax.random.randint(k1, (BATCH, TOTAL_DIM), 0, VOCAB).astype(jnp.float32)
    # xavier_uniform init per table: bound = sqrt(6 / (fan_in + fan_out))
    bound = float(np.sqrt(6.0 / (VOCAB + EMB)))
    emb_tables = jax.random.uniform(k2, (NUM_FIELDS, VOCAB, EMB), minval=-bound, maxval=bound, dtype=jnp.float32)
    return {"v_f": v_f, "emb_tables": emb_tables}


def reference(v_f, emb_tables):
    # g_tmp = sum_i EmbList[i](v_f[:, i].long())
    idx = v_f[:, :NUM_FIELDS].astype(jnp.int32)  # [B, F]
    gathered = jax.vmap(lambda table, ix: jnp.take(table, ix, axis=0), in_axes=(0, 1), out_axes=0)(emb_tables, idx)  # [F, B, E]
    g_tmp = gathered.sum(axis=0)  # [B, E]
    # torch.split(v_f, [num_layers, total_dim - num_layers], dim=1) -> keep the residual part
    res = v_f[:, NUM_FIELDS:]
    return jnp.concatenate([g_tmp, res], axis=1)

if __name__ == "__main__":
    import jax
    _d = setup_inputs()
    print(jax.jit(kernel)(*tuple(_d.values())))

</pallas_src>

<mosaic_0001>
#map = affine_map<(d0, d1) -> (0, 0)>
#map1 = affine_map<(d0, d1) -> (0, 0, 0)>
module attributes {stable_mosaic.version = 14 : i64} {
  func.func @_emb_body(%arg0: i32, %arg1: i32, %arg2: memref<39x16384xf32, #tpu.memory_space<hbm>>, %arg3: memref<26x32x100000xf32, #tpu.memory_space<hbm>>, %arg4: memref<45x16384xf32, #tpu.memory_space<hbm>>, %arg5: memref<100000xf32, #tpu.memory_space<vmem>>, %arg6: memref<16384xf32, #tpu.memory_space<vmem>>, %arg7: memref<4096xf32, #tpu.memory_space<vmem>>, %arg8: memref<4096xf32, #tpu.memory_space<vmem>>, %arg9: memref<!tpu.dma_semaphore, #tpu.memory_space<semaphore_mem>>, %arg10: memref<!tpu.dma_semaphore, #tpu.memory_space<semaphore_mem>>) attributes {dimension_semantics = [#tpu.dimension_semantics<core_parallel>, #tpu.dimension_semantics<subcore_parallel>], iteration_bounds = array<i64: 2, 16>, scalar_prefetch = 0 : i64, scratch_operands = 6 : i64, tpu.core_type = #tpu.core_type<sc_vector_subcore>, window_params = [{transform_indices = #map}, {transform_indices = #map1}, {transform_indices = #map}]} {
    %mul3A = arith.constant 2 : i32
    %mul3A_0 = arith.muli %arg1, %mul3A : i32
    %add3A = arith.addi %mul3A_0, %arg0 : i32
    %dma_start3A = arith.constant 0 : i32
    %dma_start3A_1 = arith.constant 0 : i32
    %dma_start3A_2 = tpu.memref_slice %arg3[%dma_start3A, %add3A, %dma_start3A_1] : memref<26x32x100000xf32, #tpu.memory_space<hbm>> -> memref<1x1x100000xf32, #tpu.memory_space<hbm>>
    %dma_start3A_3 = tpu.memref_squeeze %dma_start3A_2 : memref<1x1x100000xf32, #tpu.memory_space<hbm>> -> memref<100000xf32, #tpu.memory_space<hbm>>
    %dma_start3A_4 = arith.constant 0 : i32
    %dma_start3A_5 = tpu.memref_slice %arg3[%dma_start3A, %add3A, %dma_start3A_4] : memref<26x32x100000xf32, #tpu.memory_space<hbm>> -> memref<1x1x100000xf32, #tpu.memory_space<hbm>>
    %dma_start3A_6 = tpu.memref_squeeze %dma_start3A_5 : memref<1x1x100000xf32, #tpu.memory_space<hbm>> -> memref<100000xf32, #tpu.memory_space<hbm>>
    tpu.enqueue_dma source(%dma_start3A_6 : memref<100000xf32, #tpu.memory_space<hbm>>) target(%arg5 : memref<100000xf32, #tpu.memory_space<vmem>>) target_semaphore(%arg9 : memref<!tpu.dma_semaphore, #tpu.memory_space<semaphore_mem>>)
    %dma_start3A_7 = arith.constant 0 : i32
    %dma_start3A_8 = arith.constant 0 : i32
    %dma_start3A_9 = tpu.memref_slice %arg2[%dma_start3A_7, %dma_start3A_8] : memref<39x16384xf32, #tpu.memory_space<hbm>> -> memref<1x4096xf32, #tpu.memory_space<hbm>>
    %dma_start3A_10 = tpu.memref_squeeze %dma_start3A_9 : memref<1x4096xf32, #tpu.memory_space<hbm>> -> memref<4096xf32, #tpu.memory_space<hbm>>
    %dma_start3A_11 = arith.constant 0 : i32
    %dma_start3A_12 = tpu.memref_slice %arg2[%dma_start3A_7, %dma_start3A_11] : memref<39x16384xf32, #tpu.memory_space<hbm>> -> memref<1x4096xf32, #tpu.memory_space<hbm>>
    %dma_start3A_13 = tpu.memref_squeeze %dma_start3A_12 : memref<1x4096xf32, #tpu.memory_space<hbm>> -> memref<4096xf32, #tpu.memory_space<hbm>>
    tpu.enqueue_dma source(%dma_start3A_13 : memref<4096xf32, #tpu.memory_space<hbm>>) target(%arg7 : memref<4096xf32, #tpu.memory_space<vmem>>) target_semaphore(%arg10 : memref<!tpu.dma_semaphore, #tpu.memory_space<semaphore_mem>>)
    %dma_wait3A = arith.constant 0 : i32
    %dma_wait3A_14 = arith.constant 0 : i32
    %dma_wait3A_15 = tpu.memref_slice %arg3[%dma_wait3A, %add3A, %dma_wait3A_14] : memref<26x32x100000xf32, #tpu.memory_space<hbm>> -> memref<1x1x100000xf32, #tpu.memory_space<hbm>>
    %dma_wait3A_16 = tpu.memref_squeeze %dma_wait3A_15 : memref<1x1x100000xf32, #tpu.memory_space<hbm>> -> memref<100000xf32, #tpu.memory_space<hbm>>
    %dma_wait3A_17 = arith.constant 0 : i32
    %dma_wait3A_18 = tpu.memref_slice %arg3[%dma_wait3A, %add3A, %dma_wait3A_17] : memref<26x32x100000xf32, #tpu.memory_space<hbm>> -> memref<1x1x100000xf32, #tpu.memory_space<hbm>>
    %dma_wait3A_19 = tpu.memref_squeeze %dma_wait3A_18 : memref<1x1x100000xf32, #tpu.memory_space<hbm>> -> memref<100000xf32, #tpu.memory_space<hbm>>
    tpu.wait_dma2 semaphore(%arg9 : memref<!tpu.dma_semaphore, #tpu.memory_space<semaphore_mem>>) src(%dma_wait3A_19 : memref<100000xf32, #tpu.memory_space<hbm>>) dst(%arg5 : memref<100000xf32, #tpu.memory_space<vmem>>)
    %dma_wait3A_20 = arith.constant 0 : i32
    %dma_wait3A_21 = arith.constant 0 : i32
    %dma_wait3A_22 = tpu.memref_slice %arg2[%dma_wait3A_20, %dma_wait3A_21] : memref<39x16384xf32, #tpu.memory_space<hbm>> -> memref<1x4096xf32, #tpu.memory_space<hbm>>
    %dma_wait3A_23 = tpu.memref_squeeze %dma_wait3A_22 : memref<1x4096xf32, #tpu.memory_space<hbm>> -> memref<4096xf32, #tpu.memory_space<hbm>>
    %dma_wait3A_24 = arith.constant 0 : i32
    %dma_wait3A_25 = tpu.memref_slice %arg2[%dma_wait3A_20, %dma_wait3A_24] : memref<39x16384xf32, #tpu.memory_space<hbm>> -> memref<1x4096xf32, #tpu.memory_space<hbm>>
    %dma_wait3A_26 = tpu.memref_squeeze %dma_wait3A_25 : memref<1x4096xf32, #tpu.memory_space<hbm>> -> memref<4096xf32, #tpu.memory_space<hbm>>
    tpu.wait_dma2 semaphore(%arg10 : memref<!tpu.dma_semaphore, #tpu.memory_space<semaphore_mem>>) src(%dma_wait3A_26 : memref<4096xf32, #tpu.memory_space<hbm>>) dst(%arg7 : memref<4096xf32, #tpu.memory_space<vmem>>)
    %dma_start3A_27 = arith.constant 0 : i32
    %dma_start3A_28 = arith.constant 4096 : i32
    %dma_start3A_29 = tpu.memref_slice %arg2[%dma_start3A_27, %dma_start3A_28] : memref<39x16384xf32, #tpu.memory_space<hbm>> -> memref<1x4096xf32, #tpu.memory_space<hbm>>
    %dma_start3A_30 = tpu.memref_squeeze %dma_start3A_29 : memref<1x4096xf32, #tpu.memory_space<hbm>> -> memref<4096xf32, #tpu.memory_space<hbm>>
    %dma_start3A_31 = arith.constant 4096 : i32
    %dma_start3A_32 = tpu.memref_slice %arg2[%dma_start3A_27, %dma_start3A_31] : memref<39x16384xf32, #tpu.memory_space<hbm>> -> memref<1x4096xf32, #tpu.memory_space<hbm>>
    %dma_start3A_33 = tpu.memref_squeeze %dma_start3A_32 : memref<1x4096xf32, #tpu.memory_space<hbm>> -> memref<4096xf32, #tpu.memory_space<hbm>>
    tpu.enqueue_dma source(%dma_start3A_33 : memref<4096xf32, #tpu.memory_space<hbm>>) target(%arg8 : memref<4096xf32, #tpu.memory_space<vmem>>) target_semaphore(%arg10 : memref<!tpu.dma_semaphore, #tpu.memory_space<semaphore_mem>>)
    %parallel_loop3A = arith.constant 0 : i32
    %parallel_loop3A_34 = arith.constant 256 : i32
    %parallel_loop3A_35 = arith.constant 1 : i32
    scf.for %parallel_loop3A_87 = %parallel_loop3A to %parallel_loop3A_34 step %parallel_loop3A_35  : i32 {
      %parallel_loop3A_88 = arith.constant 16 : i32
      %parallel_loop3A_89 = arith.muli %parallel_loop3A_87, %parallel_loop3A_88 : i32
      %parallel_loop3A_90 = arith.index_cast %parallel_loop3A_89 : i32 to index
      %parallel_loop3A_91 = tpu.vector_load %arg7[%parallel_loop3A_90] {strides = array<i32>} : memref<4096xf32, #tpu.memory_space<vmem>>, vector<16xf32>,
      %parallel_loop3A_92 = arith.fptosi %parallel_loop3A_91 : vector<16xf32> to vector<16xi32>
      %parallel_loop3A_93 = tpu.vector_load_idx %arg5[%parallel_loop3A_92] : memref<100000xf32, #tpu.memory_space<vmem>>[vector<16xi32>], vector<16xf32>,
      %parallel_loop3A_94 = arith.constant 0 : i32
      %parallel_loop3A_95 = arith.addi %parallel_loop3A_94, %parallel_loop3A_89 : i32
      %parallel_loop3A_96 = arith.index_cast %parallel_loop3A_95 : i32 to index
      %parallel_loop3A_97 = tpu.vector_load %arg6[%parallel_loop3A_96] {strides = array<i32>} : memref<16384xf32, #tpu.memory_space<vmem>>, vector<16xf32>,
      tpu.vector_store %arg6[%parallel_loop3A_96], %parallel_loop3A_93 {strides = array<i32>} : memref<16384xf32, #tpu.memory_space<vmem>>, vector<16xf32>,
    } {sc.loop_unroll_factor = 16 : i64, sc.parallel_access}
    %dma_wait3A_36 = arith.constant 0 : i32
    %dma_wait3A_37 = arith.constant 4096 : i32
    %dma_wait3A_38 = tpu.memref_slice %arg2[%dma_wait3A_36, %dma_wait3A_37] : memref<39x16384xf32, #tpu.memory_space<hbm>> -> memref<1x4096xf32, #tpu.memory_space<hbm>>
    %dma_wait3A_39 = tpu.memref_squeeze %dma_wait3A_38 : memref<1x4096xf32, #tpu.memory_space<hbm>> -> memref<4096xf32, #tpu.memory_space<hbm>>
    %dma_wait3A_40 = arith.constant 4096 : i32
    %dma_wait3A_41 = tpu.memref_slice %arg2[%dma_wait3A_36, %dma_wait3A_40] : memref<39x16384xf32, #tpu.memory_space<hbm>> -> memref<1x4096xf32, #tpu.memory_space<hbm>>
    %dma_wait3A_42 = tpu.memref_squeeze %dma_wait3A_41 : memref<1x4096xf32, #tpu.memory_space<hbm>> -> memref<4096xf32, #tpu.memory_space<hbm>>
    tpu.wait_dma2 semaphore(%arg10 : memref<!tpu.dma_semaphore, #tpu.memory_space<semaphore_mem>>) src(%dma_wait3A_42 : memref<4096xf32, #tpu.memory_space<hbm>>) dst(%arg8 : memref<4096xf32, #tpu.memory_space<vmem>>)
    %dma_start3A_43 = arith.constant 0 : i32
    %dma_start3A_44 = arith.constant 8192 : i32
    %dma_start3A_45 = tpu.memref_slice %arg2[%dma_start3A_43, %dma_start3A_44] : memref<39x16384xf32, #tpu.memory_space<hbm>> -> memref<1x4096xf32, #tpu.memory_space<hbm>>
    %dma_start3A_46 = tpu.memref_squeeze %dma_start3A_45 : memref<1x4096xf32, #tpu.memory_space<hbm>> -> memref<4096xf32, #tpu.memory_space<hbm>>
    %dma_start3A_47 = arith.constant 8192 : i32
    %dma_start3A_48 = tpu.memref_slice %arg2[%dma_start3A_43, %dma_start3A_47] : memref<39x16384xf32, #tpu.memory_space<hbm>> -> memref<1x4096xf32, #tpu.memory_space<hbm>>
    %dma_start3A_49 = tpu.memref_squeeze %dma_start3A_48 : memref<1x4096xf32, #tpu.memory_space<hbm>> -> memref<4096xf32, #tpu.memory_space<hbm>>
    tpu.enqueue_dma source(%dma_start3A_49 : memref<4096xf32, #tpu.memory_space<hbm>>) target(%arg7 : memref<4096xf32, #tpu.memory_space<vmem>>) target_semaphore(%arg10 : memref<!tpu.dma_semaphore, #tpu.memory_space<semaphore_mem>>)
    %parallel_loop3A_50 = arith.constant 0 : i32
    %parallel_loop3A_51 = arith.constant 256 : i32
    %parallel_loop3A_52 = arith.constant 1 : i32
    scf.for %parallel_loop3A_87 = %parallel_loop3A_50 to %parallel_loop3A_51 step %parallel_loop3A_52  : i32 {
      %parallel_loop3A_88 = arith.constant 16 : i32
      %parallel_loop3A_89 = arith.muli %parallel_loop3A_87, %parallel_loop3A_88 : i32
      %parallel_loop3A_90 = arith.index_cast %parallel_loop3A_89 : i32 to index
      %parallel_loop3A_91 = tpu.vector_load %arg8[%parallel_loop3A_90] {strides = array<i32>} : memref<4096xf32, #tpu.memory_space<vmem>>, vector<16xf32>,
      %parallel_loop3A_92 = arith.fptosi %parallel_loop3A_91 : vector<16xf32> to vector<16xi32>
      %parallel_loop3A_93 = tpu.vector_load_idx %arg5[%parallel_loop3A_92] : memref<100000xf32, #tpu.memory_space<vmem>>[vector<16xi32>], vector<16xf32>,
      %parallel_loop3A_94 = arith.constant 4096 : i32
      %parallel_loop3A_95 = arith.addi %parallel_loop3A_94, %parallel_loop3A_89 : i32
      %parallel_loop3A_96 = arith.index_cast %parallel_loop3A_95 : i32 to index
      %parallel_loop3A_97 = tpu.vector_load %arg6[%parallel_loop3A_96] {strides = array<i32>} : memref<16384xf32, #tpu.memory_space<vmem>>, vector<16xf32>,
      tpu.vector_store %arg6[%parallel_loop3A_96], %parallel_loop3A_93 {strides = array<i32>} : memref<16384xf32, #tpu.memory_space<vmem>>, vector<16xf32>,
    } {sc.loop_unroll_factor = 16 : i64, sc.parallel_access}
    %dma_wait3A_53 = arith.constant 0 : i32
    %dma_wait3A_54 = arith.constant 8192 : i32
    %dma_wait3A_55 = tpu.memref_slice %arg2[%dma_wait3A_53, %dma_wait3A_54] : memref<39x16384xf32, #tpu.memory_space<hbm>> -> memref<1x4096xf32, #tpu.memory_space<hbm>>
    %dma_wait3A_56 = tpu.memref_squeeze %dma_wait3A_55 : memref<1x4096xf32, #tpu.memory_space<hbm>> -> memref<4096xf32, #tpu.memory_space<hbm>>
    %dma_wait3A_57 = arith.constant 8192 : i32
    %dma_wait3A_58 = tpu.memref_slice %arg2[%dma_wait3A_53, %dma_wait3A_57] : memref<39x16384xf32, #tpu.memory_space<hbm>> -> memref<1x4096xf32, #tpu.memory_space<hbm>>
    %dma_wait3A_59 = tpu.memref_squeeze %dma_wait3A_58 : memref<1x4096xf32, #tpu.memory_space<hbm>> -> memref<4096xf32, #tpu.memory_space<hbm>>
    tpu.wait_dma2 semaphore(%arg10 : memref<!tpu.dma_semaphore, #tpu.memory_space<semaphore_mem>>) src(%dma_wait3A_59 : memref<4096xf32, #tpu.memory_space<hbm>>) dst(%arg7 : memref<4096xf32, #tpu.memory_space<vmem>>)
    %dma_start3A_60 = arith.constant 0 : i32
    %dma_start3A_61 = arith.constant 12288 : i32
    %dma_start3A_62 = tpu.memref_slice %arg2[%dma_start3A_60, %dma_start3A_61] : memref<39x16384xf32, #tpu.memory_space<hbm>> -> memref<1x4096xf32, #tpu.memory_space<hbm>>
    %dma_start3A_63 = tpu.memref_squeeze %dma_start3A_62 : memref<1x4096xf32, #tpu.memory_space<hbm>> -> memref<4096xf32, #tpu.memory_space<hbm>>
    %dma_start3A_64 = arith.constant 12288 : i32
    %dma_start3A_65 = tpu.memref_slice %arg2[%dma_start3A_60, %dma_start3A_64] : memref<39x16384xf32, #tpu.memory_space<hbm>> -> memref<1x4096xf32, #tpu.memory_space<hbm>>
    %dma_start3A_66 = tpu.memref_squeeze %dma_start3A_65 : memref<1x4096xf32, #tpu.memory_space<hbm>> -> memref<4096xf32, #tpu.memory_space<hbm>>
    tpu.enqueue_dma source(%dma_start3A_66 : memref<4096xf32, #tpu.memory_space<hbm>>) target(%arg8 : memref<4096xf32, #tpu.memory_space<vmem>>) target_semaphore(%arg10 : memref<!tpu.dma_semaphore, #tpu.memory_space<semaphore_mem>>)
    %parallel_loop3A_67 = arith.constant 0 : i32
    %parallel_loop3A_68 = arith.constant 256 : i32
    %parallel_loop3A_69 = arith.constant 1 : i32
    scf.for %parallel_loop3A_87 = %parallel_loop3A_67 to %parallel_loop3A_68 step %parallel_loop3A_69  : i32 {
      %parallel_loop3A_88 = arith.constant 16 : i32
      %parallel_loop3A_89 = arith.muli %parallel_loop3A_87, %parallel_loop3A_88 : i32
      %parallel_loop3A_90 = arith.index_cast %parallel_loop3A_89 : i32 to index
      %parallel_loop3A_91 = tpu.vector_load %arg7[%parallel_loop3A_90] {strides = array<i32>} : memref<4096xf32, #tpu.memory_space<vmem>>, vector<16xf32>,
      %parallel_loop3A_92 = arith.fptosi %parallel_loop3A_91 : vector<16xf32> to vector<16xi32>
      %parallel_loop3A_93 = tpu.vector_load_idx %arg5[%parallel_loop3A_92] : memref<100000xf32, #tpu.memory_space<vmem>>[vector<16xi32>], vector<16xf32>,
      %parallel_loop3A_94 = arith.constant 8192 : i32
      %parallel_loop3A_95 = arith.addi %parallel_loop3A_94, %parallel_loop3A_89 : i32
      %parallel_loop3A_96 = arith.index_cast %parallel_loop3A_95 : i32 to index
      %parallel_loop3A_97 = tpu.vector_load %arg6[%parallel_loop3A_96] {strides = array<i32>} : memref<16384xf32, #tpu.memory_space<vmem>>, vector<16xf32>,
      tpu.vector_store %arg6[%parallel_loop3A_96], %parallel_loop3A_93 {strides = array<i32>} : memref<16384xf32, #tpu.memory_space<vmem>>, vector<16xf32>,
    } {sc.loop_unroll_factor = 16 : i64, sc.parallel_access}
    %dma_wait3A_70 = arith.constant 0 : i32
    %dma_wait3A_71 = arith.constant 12288 : i32
    %dma_wait3A_72 = tpu.memref_slice %arg2[%dma_wait3A_70, %dma_wait3A_71] : memref<39x16384xf32, #tpu.memory_space<hbm>> -> memref<1x4096xf32, #tpu.memory_space<hbm>>
    %dma_wait3A_73 = tpu.memref_squeeze %dma_wait3A_72 : memref<1x4096xf32, #tpu.memory_space<hbm>> -> memref<4096xf32, #tpu.memory_space<hbm>>
    %dma_wait3A_74 = arith.constant 12288 : i32
    %dma_wait3A_75 = tpu.memref_slice %arg2[%dma_wait3A_70, %dma_wait3A_74] : memref<39x16384xf32, #tpu.memory_space<hbm>> -> memref<1x4096xf32, #tpu.memory_space<hbm>>
    %dma_wait3A_76 = tpu.memref_squeeze %dma_wait3A_75 : memref<1x4096xf32, #tpu.memory_space<hbm>> -> memref<4096xf32, #tpu.memory_space<hbm>>
    tpu.wait_dma2 semaphore(%arg10 : memref<!tpu.dma_semaphore, #tpu.memory_space<semaphore_mem>>) src(%dma_wait3A_76 : memref<4096xf32, #tpu.memory_space<hbm>>) dst(%arg8 : memref<4096xf32, #tpu.memory_space<vmem>>)
    %parallel_loop3A_77 = arith.constant 0 : i32
    %parallel_loop3A_78 = arith.constant 256 : i32
    %parallel_loop3A_79 = arith.constant 1 : i32
    scf.for %parallel_loop3A_87 = %parallel_loop3A_77 to %parallel_loop3A_78 step %parallel_loop3A_79  : i32 {
      %parallel_loop3A_88 = arith.constant 16 : i32
      %parallel_loop3A_89 = arith.muli %parallel_loop3A_87, %parallel_loop3A_88 : i32
      %parallel_loop3A_90 = arith.index_cast %parallel_loop3A_89 : i32 to index
      %parallel_loop3A_91 = tpu.vector_load %arg8[%parallel_loop3A_90] {strides = array<i32>} : memref<4096xf32, #tpu.memory_space<vmem>>, vector<16xf32>,
      %parallel_loop3A_92 = arith.fptosi %parallel_loop3A_91 : vector<16xf32> to vector<16xi32>
      %parallel_loop3A_93 = tpu.vector_load_idx %arg5[%parallel_loop3A_92] : memref<100000xf32, #tpu.memory_space<vmem>>[vector<16xi32>], vector<16xf32>,
      %parallel_loop3A_94 = arith.constant 12288 : i32
      %parallel_loop3A_95 = arith.addi %parallel_loop3A_94, %parallel_loop3A_89 : i32
      %parallel_loop3A_96 = arith.index_cast %parallel_loop3A_95 : i32 to index
      %parallel_loop3A_97 = tpu.vector_load %arg6[%parallel_loop3A_96] {strides = array<i32>} : memref<16384xf32, #tpu.memory_space<vmem>>, vector<16xf32>,
      tpu.vector_store %arg6[%parallel_loop3A_96], %parallel_loop3A_93 {strides = array<i32>} : memref<16384xf32, #tpu.memory_space<vmem>>, vector<16xf32>,
    } {sc.loop_unroll_factor = 16 : i64, sc.parallel_access}
    %scan3A = arith.constant 0 : i32
    %scan3A_80 = arith.constant 1 : i32
    %scan3A_81 = arith.constant 25 : i32
    %scan3A_82 = arith.addi %scan3A_80, %scan3A_81 : i32
    %scan3A_83 = arith.constant 1 : i32
    scf.for %scan3A_87 = %scan3A_80 to %scan3A_82 step %scan3A_83  : i32 {
      %dma_start3A_88 = arith.constant 0 : i32
      %dma_start3A_89 = tpu.memref_slice %arg3[%scan3A_87, %add3A, %dma_start3A_88] : memref<26x32x100000xf32, #tpu.memory_space<hbm>> -> memref<1x1x100000xf32, #tpu.memory_space<hbm>>
      %dma_start3A_90 = tpu.memref_squeeze %dma_start3A_89 : memref<1x1x100000xf32, #tpu.memory_space<hbm>> -> memref<100000xf32, #tpu.memory_space<hbm>>
      %dma_start3A_91 = arith.constant 0 : i32
      %dma_start3A_92 = tpu.memref_slice %arg3[%scan3A_87, %add3A, %dma_start3A_91] : memref<26x32x100000xf32, #tpu.memory_space<hbm>> -> memref<1x1x100000xf32, #tpu.memory_space<hbm>>
      %dma_start3A_93 = tpu.memref_squeeze %dma_start3A_92 : memref<1x1x100000xf32, #tpu.memory_space<hbm>> -> memref<100000xf32, #tpu.memory_space<hbm>>
      tpu.enqueue_dma source(%dma_start3A_93 : memref<100000xf32, #tpu.memory_space<hbm>>) target(%arg5 : memref<100000xf32, #tpu.memory_space<vmem>>) target_semaphore(%arg9 : memref<!tpu.dma_semaphore, #tpu.memory_space<semaphore_mem>>)
      %dma_start3A_94 = arith.constant 0 : i32
      %dma_start3A_95 = tpu.memref_slice %arg2[%scan3A_87, %dma_start3A_94] : memref<39x16384xf32, #tpu.memory_space<hbm>> -> memref<1x4096xf32, #tpu.memory_space<hbm>>
      %dma_start3A_96 = tpu.memref_squeeze %dma_start3A_95 : memref<1x4096xf32, #tpu.memory_space<hbm>> -> memref<4096xf32, #tpu.memory_space<hbm>>
      %dma_start3A_97 = arith.constant 0 : i32
      %dma_start3A_98 = tpu.memref_slice %arg2[%scan3A_87, %dma_start3A_97] : memref<39x16384xf32, #tpu.memory_space<hbm>> -> memref<1x4096xf32, #tpu.memory_space<hbm>>
      %dma_start3A_99 = tpu.memref_squeeze %dma_start3A_98 : memref<1x4096xf32, #tpu.memory_space<hbm>> -> memref<4096xf32, #tpu.memory_space<hbm>>
      tpu.enqueue_dma source(%dma_start3A_99 : memref<4096xf32, #tpu.memory_space<hbm>>) target(%arg7 : memref<4096xf32, #tpu.memory_space<vmem>>) target_semaphore(%arg10 : memref<!tpu.dma_semaphore, #tpu.memory_space<semaphore_mem>>)
      %dma_wait3A_100 = arith.constant 0 : i32
      %dma_wait3A_101 = tpu.memref_slice %arg3[%scan3A_87, %add3A, %dma_wait3A_100] : memref<26x32x100000xf32, #tpu.memory_space<hbm>> -> memref<1x1x100000xf32, #tpu.memory_space<hbm>>
      %dma_wait3A_102 = tpu.memref_squeeze %dma_wait3A_101 : memref<1x1x100000xf32, #tpu.memory_space<hbm>> -> memref<100000xf32, #tpu.memory_space<hbm>>
      %dma_wait3A_103 = arith.constant 0 : i32
      %dma_wait3A_104 = tpu.memref_slice %arg3[%scan3A_87, %add3A, %dma_wait3A_103] : memref<26x32x100000xf32, #tpu.memory_space<hbm>> -> memref<1x1x100000xf32, #tpu.memory_space<hbm>>
      %dma_wait3A_105 = tpu.memref_squeeze %dma_wait3A_104 : memref<1x1x100000xf32, #tpu.memory_space<hbm>> -> memref<100000xf32, #tpu.memory_space<hbm>>
      tpu.wait_dma2 semaphore(%arg9 : memref<!tpu.dma_semaphore, #tpu.memory_space<semaphore_mem>>) src(%dma_wait3A_105 : memref<100000xf32, #tpu.memory_space<hbm>>) dst(%arg5 : memref<100000xf32, #tpu.memory_space<vmem>>)
      %dma_wait3A_106 = arith.constant 0 : i32
      %dma_wait3A_107 = tpu.memref_slice %arg2[%scan3A_87, %dma_wait3A_106] : memref<39x16384xf32, #tpu.memory_space<hbm>> -> memref<1x4096xf32, #tpu.memory_space<hbm>>
      %dma_wait3A_108 = tpu.memref_squeeze %dma_wait3A_107 : memref<1x4096xf32, #tpu.memory_space<hbm>> -> memref<4096xf32, #tpu.memory_space<hbm>>
      %dma_wait3A_109 = arith.constant 0 : i32
      %dma_wait3A_110 = tpu.memref_slice %arg2[%scan3A_87, %dma_wait3A_109] : memref<39x16384xf32, #tpu.memory_space<hbm>> -> memref<1x4096xf32, #tpu.memory_space<hbm>>
      %dma_wait3A_111 = tpu.memref_squeeze %dma_wait3A_110 : memref<1x4096xf32, #tpu.memory_space<hbm>> -> memref<4096xf32, #tpu.memory_space<hbm>>
      tpu.wait_dma2 semaphore(%arg10 : memref<!tpu.dma_semaphore, #tpu.memory_space<semaphore_mem>>) src(%dma_wait3A_111 : memref<4096xf32, #tpu.memory_space<hbm>>) dst(%arg7 : memref<4096xf32, #tpu.memory_space<vmem>>)
      %dma_start3A_112 = arith.constant 4096 : i32
      %dma_start3A_113 = tpu.memref_slice %arg2[%scan3A_87, %dma_start3A_112] : memref<39x16384xf32, #tpu.memory_space<hbm>> -> memref<1x4096xf32, #tpu.memory_space<hbm>>
      %dma_start3A_114 = tpu.memref_squeeze %dma_start3A_113 : memref<1x4096xf32, #tpu.memory_space<hbm>> -> memref<4096xf32, #tpu.memory_space<hbm>>
      %dma_start3A_115 = arith.constant 4096 : i32
      %dma_start3A_116 = tpu.memref_slice %arg2[%scan3A_87, %dma_start3A_115] : memref<39x16384xf32, #tpu.memory_space<hbm>> -> memref<1x4096xf32, #tpu.memory_space<hbm>>
      %dma_start3A_117 = tpu.memref_squeeze %dma_start3A_116 : memref<1x4096xf32, #tpu.memory_space<hbm>> -> memref<4096xf32, #tpu.memory_space<hbm>>
      tpu.enqueue_dma source(%dma_start3A_117 : memref<4096xf32, #tpu.memory_space<hbm>>) target(%arg8 : memref<4096xf32, #tpu.memory_space<vmem>>) target_semaphore(%arg10 : memref<!tpu.dma_semaphore, #tpu.memory_space<semaphore_mem>>)
      %parallel_loop3A_118 = arith.constant 0 : i32
      %parallel_loop3A_119 = arith.constant 256 : i32
      %parallel_loop3A_120 = arith.constant 1 : i32
      scf.for %parallel_loop3A_160 = %parallel_loop3A_118 to %parallel_loop3A_119 step %parallel_loop3A_120  : i32 {
        %parallel_loop3A_161 = arith.constant 16 : i32
        %parallel_loop3A_162 = arith.muli %parallel_loop3A_160, %parallel_loop3A_161 : i32
        %parallel_loop3A_163 = arith.index_cast %parallel_loop3A_162 : i32 to index
        %parallel_loop3A_164 = tpu.vector_load %arg7[%parallel_loop3A_163] {strides = array<i32>} : memref<4096xf32, #tpu.memory_space<vmem>>, vector<16xf32>,
        %parallel_loop3A_165 = arith.fptosi %parallel_loop3A_164 : vector<16xf32> to vector<16xi32>
        %parallel_loop3A_166 = tpu.vector_load_idx %arg5[%parallel_loop3A_165] : memref<100000xf32, #tpu.memory_space<vmem>>[vector<16xi32>], vector<16xf32>,
        %parallel_loop3A_167 = arith.constant 0 : i32
        %parallel_loop3A_168 = arith.addi %parallel_loop3A_167, %parallel_loop3A_162 : i32
        %parallel_loop3A_169 = arith.index_cast %parallel_loop3A_168 : i32 to index
        %parallel_loop3A_170 = tpu.vector_load %arg6[%parallel_loop3A_169] {strides = array<i32>} : memref<16384xf32, #tpu.memory_space<vmem>>, vector<16xf32>,
        %parallel_loop3A_171 = arith.addf %parallel_loop3A_170, %parallel_loop3A_166 : vector<16xf32>
        %parallel_loop3A_172 = arith.index_cast %parallel_loop3A_168 : i32 to index
        %parallel_loop3A_173 = tpu.vector_load %arg6[%parallel_loop3A_172] {strides = array<i32>} : memref<16384xf32, #tpu.memory_space<vmem>>, vector<16xf32>,
        tpu.vector_store %arg6[%parallel_loop3A_172], %parallel_loop3A_171 {strides = array<i32>} : memref<16384xf32, #tpu.memory_space<vmem>>, vector<16xf32>,
      } {sc.loop_unroll_factor = 16 : i64, sc.parallel_access}
      %dma_wait3A_121 = arith.constant 4096 : i32
      %dma_wait3A_122 = tpu.memref_slice %arg2[%scan3A_87, %dma_wait3A_121] : memref<39x16384xf32, #tpu.memory_space<hbm>> -> memref<1x4096xf32, #tpu.memory_space<hbm>>
      %dma_wait3A_123 = tpu.memref_squeeze %dma_wait3A_122 : memref<1x4096xf32, #tpu.memory_space<hbm>> -> memref<4096xf32, #tpu.memory_space<hbm>>
      %dma_wait3A_124 = arith.constant 4096 : i32
      %dma_wait3A_125 = tpu.memref_slice %arg2[%scan3A_87, %dma_wait3A_124] : memref<39x16384xf32, #tpu.memory_space<hbm>> -> memref<1x4096xf32, #tpu.memory_space<hbm>>
      %dma_wait3A_126 = tpu.memref_squeeze %dma_wait3A_125 : memref<1x4096xf32, #tpu.memory_space<hbm>> -> memref<4096xf32, #tpu.memory_space<hbm>>
      tpu.wait_dma2 semaphore(%arg10 : memref<!tpu.dma_semaphore, #tpu.memory_space<semaphore_mem>>) src(%dma_wait3A_126 : memref<4096xf32, #tpu.memory_space<hbm>>) dst(%arg8 : memref<4096xf32, #tpu.memory_space<vmem>>)
      %dma_start3A_127 = arith.constant 8192 : i32
      %dma_start3A_128 = tpu.memref_slice %arg2[%scan3A_87, %dma_start3A_127] : memref<39x16384xf32, #tpu.memory_space<hbm>> -> memref<1x4096xf32, #tpu.memory_space<hbm>>
      %dma_start3A_129 = tpu.memref_squeeze %dma_start3A_128 : memref<1x4096xf32, #tpu.memory_space<hbm>> -> memref<4096xf32, #tpu.memory_space<hbm>>
      %dma_start3A_130 = arith.constant 8192 : i32
      %dma_start3A_131 = tpu.memref_slice %arg2[%scan3A_87, %dma_start3A_130] : memref<39x16384xf32, #tpu.memory_space<hbm>> -> memref<1x4096xf32, #tpu.memory_space<hbm>>
      %dma_start3A_132 = tpu.memref_squeeze %dma_start3A_131 : memref<1x4096xf32, #tpu.memory_space<hbm>> -> memref<4096xf32, #tpu.memory_space<hbm>>
      tpu.enqueue_dma source(%dma_start3A_132 : memref<4096xf32, #tpu.memory_space<hbm>>) target(%arg7 : memref<4096xf32, #tpu.memory_space<vmem>>) target_semaphore(%arg10 : memref<!tpu.dma_semaphore, #tpu.memory_space<semaphore_mem>>)
      %parallel_loop3A_133 = arith.constant 0 : i32
      %parallel_loop3A_134 = arith.constant 256 : i32
      %parallel_loop3A_135 = arith.constant 1 : i32
      scf.for %parallel_loop3A_160 = %parallel_loop3A_133 to %parallel_loop3A_134 step %parallel_loop3A_135  : i32 {
        %parallel_loop3A_161 = arith.constant 16 : i32
        %parallel_loop3A_162 = arith.muli %parallel_loop3A_160, %parallel_loop3A_161 : i32
        %parallel_loop3A_163 = arith.index_cast %parallel_loop3A_162 : i32 to index
        %parallel_loop3A_164 = tpu.vector_load %arg8[%parallel_loop3A_163] {strides = array<i32>} : memref<4096xf32, #tpu.memory_space<vmem>>, vector<16xf32>,
        %parallel_loop3A_165 = arith.fptosi %parallel_loop3A_164 : vector<16xf32> to vector<16xi32>
        %parallel_loop3A_166 = tpu.vector_load_idx %arg5[%parallel_loop3A_165] : memref<100000xf32, #tpu.memory_space<vmem>>[vector<16xi32>], vector<16xf32>,
        %parallel_loop3A_167 = arith.constant 4096 : i32
        %parallel_loop3A_168 = arith.addi %parallel_loop3A_167, %parallel_loop3A_162 : i32
        %parallel_loop3A_169 = arith.index_cast %parallel_loop3A_168 : i32 to index
        %parallel_loop3A_170 = tpu.vector_load %arg6[%parallel_loop3A_169] {strides = array<i32>} : memref<16384xf32, #tpu.memory_space<vmem>>, vector<16xf32>,
        %parallel_loop3A_171 = arith.addf %parallel_loop3A_170, %parallel_loop3A_166 : vector<16xf32>
        %parallel_loop3A_172 = arith.index_cast %parallel_loop3A_168 : i32 to index
        %parallel_loop3A_173 = tpu.vector_load %arg6[%parallel_loop3A_172] {strides = array<i32>} : memref<16384xf32, #tpu.memory_space<vmem>>, vector<16xf32>,
        tpu.vector_store %arg6[%parallel_loop3A_172], %parallel_loop3A_171 {strides = array<i32>} : memref<16384xf32, #tpu.memory_space<vmem>>, vector<16xf32>,
      } {sc.loop_unroll_factor = 16 : i64, sc.parallel_access}
      %dma_wait3A_136 = arith.constant 8192 : i32
      %dma_wait3A_137 = tpu.memref_slice %arg2[%scan3A_87, %dma_wait3A_136] : memref<39x16384xf32, #tpu.memory_space<hbm>> -> memref<1x4096xf32, #tpu.memory_space<hbm>>
      %dma_wait3A_138 = tpu.memref_squeeze %dma_wait3A_137 : memref<1x4096xf32, #tpu.memory_space<hbm>> -> memref<4096xf32, #tpu.memory_space<hbm>>
      %dma_wait3A_139 = arith.constant 8192 : i32
      %dma_wait3A_140 = tpu.memref_slice %arg2[%scan3A_87, %dma_wait3A_139] : memref<39x16384xf32, #tpu.memory_space<hbm>> -> memref<1x4096xf32, #tpu.memory_space<hbm>>
      %dma_wait3A_141 = tpu.memref_squeeze %dma_wait3A_140 : memref<1x4096xf32, #tpu.memory_space<hbm>> -> memref<4096xf32, #tpu.memory_space<hbm>>
      tpu.wait_dma2 semaphore(%arg10 : memref<!tpu.dma_semaphore, #tpu.memory_space<semaphore_mem>>) src(%dma_wait3A_141 : memref<4096xf32, #tpu.memory_space<hbm>>) dst(%arg7 : memref<4096xf32, #tpu.memory_space<vmem>>)
      %dma_start3A_142 = arith.constant 12288 : i32
      %dma_start3A_143 = tpu.memref_slice %arg2[%scan3A_87, %dma_start3A_142] : memref<39x16384xf32, #tpu.memory_space<hbm>> -> memref<1x4096xf32, #tpu.memory_space<hbm>>
      %dma_start3A_144 = tpu.memref_squeeze %dma_start3A_143 : memref<1x4096xf32, #tpu.memory_space<hbm>> -> memref<4096xf32, #tpu.memory_space<hbm>>
      %dma_start3A_145 = arith.constant 12288 : i32
      %dma_start3A_146 = tpu.memref_slice %arg2[%scan3A_87, %dma_start3A_145] : memref<39x16384xf32, #tpu.memory_space<hbm>> -> memref<1x4096xf32, #tpu.memory_space<hbm>>
      %dma_start3A_147 = tpu.memref_squeeze %dma_start3A_146 : memref<1x4096xf32, #tpu.memory_space<hbm>> -> memref<4096xf32, #tpu.memory_space<hbm>>
      tpu.enqueue_dma source(%dma_start3A_147 : memref<4096xf32, #tpu.memory_space<hbm>>) target(%arg8 : memref<4096xf32, #tpu.memory_space<vmem>>) target_semaphore(%arg10 : memref<!tpu.dma_semaphore, #tpu.memory_space<semaphore_mem>>)
      %parallel_loop3A_148 = arith.constant 0 : i32
      %parallel_loop3A_149 = arith.constant 256 : i32
      %parallel_loop3A_150 = arith.constant 1 : i32
      scf.for %parallel_loop3A_160 = %parallel_loop3A_148 to %parallel_loop3A_149 step %parallel_loop3A_150  : i32 {
        %parallel_loop3A_161 = arith.constant 16 : i32
        %parallel_loop3A_162 = arith.muli %parallel_loop3A_160, %parallel_loop3A_161 : i32
        %parallel_loop3A_163 = arith.index_cast %parallel_loop3A_162 : i32 to index
        %parallel_loop3A_164 = tpu.vector_load %arg7[%parallel_loop3A_163] {strides = array<i32>} : memref<4096xf32, #tpu.memory_space<vmem>>, vector<16xf32>,
        %parallel_loop3A_165 = arith.fptosi %parallel_loop3A_164 : vector<16xf32> to vector<16xi32>
        %parallel_loop3A_166 = tpu.vector_load_idx %arg5[%parallel_loop3A_165] : memref<100000xf32, #tpu.memory_space<vmem>>[vector<16xi32>], vector<16xf32>,
        %parallel_loop3A_167 = arith.constant 8192 : i32
        %parallel_loop3A_168 = arith.addi %parallel_loop3A_167, %parallel_loop3A_162 : i32
        %parallel_loop3A_169 = arith.index_cast %parallel_loop3A_168 : i32 to index
        %parallel_loop3A_170 = tpu.vector_load %arg6[%parallel_loop3A_169] {strides = array<i32>} : memref<16384xf32, #tpu.memory_space<vmem>>, vector<16xf32>,
        %parallel_loop3A_171 = arith.addf %parallel_loop3A_170, %parallel_loop3A_166 : vector<16xf32>
        %parallel_loop3A_172 = arith.index_cast %parallel_loop3A_168 : i32 to index
        %parallel_loop3A_173 = tpu.vector_load %arg6[%parallel_loop3A_172] {strides = array<i32>} : memref<16384xf32, #tpu.memory_space<vmem>>, vector<16xf32>,
        tpu.vector_store %arg6[%parallel_loop3A_172], %parallel_loop3A_171 {strides = array<i32>} : memref<16384xf32, #tpu.memory_space<vmem>>, vector<16xf32>,
      } {sc.loop_unroll_factor = 16 : i64, sc.parallel_access}
      %dma_wait3A_151 = arith.constant 12288 : i32
      %dma_wait3A_152 = tpu.memref_slice %arg2[%scan3A_87, %dma_wait3A_151] : memref<39x16384xf32, #tpu.memory_space<hbm>> -> memref<1x4096xf32, #tpu.memory_space<hbm>>
      %dma_wait3A_153 = tpu.memref_squeeze %dma_wait3A_152 : memref<1x4096xf32, #tpu.memory_space<hbm>> -> memref<4096xf32, #tpu.memory_space<hbm>>
      %dma_wait3A_154 = arith.constant 12288 : i32
      %dma_wait3A_155 = tpu.memref_slice %arg2[%scan3A_87, %dma_wait3A_154] : memref<39x16384xf32, #tpu.memory_space<hbm>> -> memref<1x4096xf32, #tpu.memory_space<hbm>>
      %dma_wait3A_156 = tpu.memref_squeeze %dma_wait3A_155 : memref<1x4096xf32, #tpu.memory_space<hbm>> -> memref<4096xf32, #tpu.memory_space<hbm>>
      tpu.wait_dma2 semaphore(%arg10 : memref<!tpu.dma_semaphore, #tpu.memory_space<semaphore_mem>>) src(%dma_wait3A_156 : memref<4096xf32, #tpu.memory_space<hbm>>) dst(%arg8 : memref<4096xf32, #tpu.memory_space<vmem>>)
      %parallel_loop3A_157 = arith.constant 0 : i32
      %parallel_loop3A_158 = arith.constant 256 : i32
      %parallel_loop3A_159 = arith.constant 1 : i32
      scf.for %parallel_loop3A_160 = %parallel_loop3A_157 to %parallel_loop3A_158 step %parallel_loop3A_159  : i32 {
        %parallel_loop3A_161 = arith.constant 16 : i32
        %parallel_loop3A_162 = arith.muli %parallel_loop3A_160, %parallel_loop3A_161 : i32
        %parallel_loop3A_163 = arith.index_cast %parallel_loop3A_162 : i32 to index
        %parallel_loop3A_164 = tpu.vector_load %arg8[%parallel_loop3A_163] {strides = array<i32>} : memref<4096xf32, #tpu.memory_space<vmem>>, vector<16xf32>,
        %parallel_loop3A_165 = arith.fptosi %parallel_loop3A_164 : vector<16xf32> to vector<16xi32>
        %parallel_loop3A_166 = tpu.vector_load_idx %arg5[%parallel_loop3A_165] : memref<100000xf32, #tpu.memory_space<vmem>>[vector<16xi32>], vector<16xf32>,
        %parallel_loop3A_167 = arith.constant 12288 : i32
        %parallel_loop3A_168 = arith.addi %parallel_loop3A_167, %parallel_loop3A_162 : i32
        %parallel_loop3A_169 = arith.index_cast %parallel_loop3A_168 : i32 to index
        %parallel_loop3A_170 = tpu.vector_load %arg6[%parallel_loop3A_169] {strides = array<i32>} : memref<16384xf32, #tpu.memory_space<vmem>>, vector<16xf32>,
        %parallel_loop3A_171 = arith.addf %parallel_loop3A_170, %parallel_loop3A_166 : vector<16xf32>
        %parallel_loop3A_172 = arith.index_cast %parallel_loop3A_168 : i32 to index
        %parallel_loop3A_173 = tpu.vector_load %arg6[%parallel_loop3A_172] {strides = array<i32>} : memref<16384xf32, #tpu.memory_space<vmem>>, vector<16xf32>,
        tpu.vector_store %arg6[%parallel_loop3A_172], %parallel_loop3A_171 {strides = array<i32>} : memref<16384xf32, #tpu.memory_space<vmem>>, vector<16xf32>,
      } {sc.loop_unroll_factor = 16 : i64, sc.parallel_access}
    }
    %scan3A_84 = arith.constant 25 : i32
    "tpu.region"() ({
      %run_scoped3A = tpu.sem_alloc : memref<!tpu.dma_semaphore, #tpu.memory_space<semaphore_mem>>
      %dma_start3A_87 = arith.constant 0 : i32
      %dma_start3A_88 = tpu.memref_slice %arg4[%add3A, %dma_start3A_87] : memref<45x16384xf32, #tpu.memory_space<hbm>> -> memref<1x16384xf32, #tpu.memory_space<hbm>>
      %dma_start3A_89 = tpu.memref_squeeze %dma_start3A_88 : memref<1x16384xf32, #tpu.memory_space<hbm>> -> memref<16384xf32, #tpu.memory_space<hbm>>
      %dma_start3A_90 = arith.constant 0 : i32
      %dma_start3A_91 = tpu.memref_slice %arg4[%add3A, %dma_start3A_90] : memref<45x16384xf32, #tpu.memory_space<hbm>> -> memref<1x16384xf32, #tpu.memory_space<hbm>>
      %dma_start3A_92 = tpu.memref_squeeze %dma_start3A_91 : memref<1x16384xf32, #tpu.memory_space<hbm>> -> memref<16384xf32, #tpu.memory_space<hbm>>
      tpu.enqueue_dma source(%arg6 : memref<16384xf32, #tpu.memory_space<vmem>>) target(%dma_start3A_92 : memref<16384xf32, #tpu.memory_space<hbm>>) target_semaphore(%run_scoped3A : memref<!tpu.dma_semaphore, #tpu.memory_space<semaphore_mem>>)
      %dma_wait3A_93 = arith.constant 0 : i32
      %dma_wait3A_94 = tpu.memref_slice %arg4[%add3A, %dma_wait3A_93] : memref<45x16384xf32, #tpu.memory_space<hbm>> -> memref<1x16384xf32, #tpu.memory_space<hbm>>
      %dma_wait3A_95 = tpu.memref_squeeze %dma_wait3A_94 : memref<1x16384xf32, #tpu.memory_space<hbm>> -> memref<16384xf32, #tpu.memory_space<hbm>>
      %dma_wait3A_96 = arith.constant 0 : i32
      %dma_wait3A_97 = tpu.memref_slice %arg4[%add3A, %dma_wait3A_96] : memref<45x16384xf32, #tpu.memory_space<hbm>> -> memref<1x16384xf32, #tpu.memory_space<hbm>>
      %dma_wait3A_98 = tpu.memref_squeeze %dma_wait3A_97 : memref<1x16384xf32, #tpu.memory_space<hbm>> -> memref<16384xf32, #tpu.memory_space<hbm>>
      tpu.wait_dma2 semaphore(%run_scoped3A : memref<!tpu.dma_semaphore, #tpu.memory_space<semaphore_mem>>) src(%arg6 : memref<16384xf32, #tpu.memory_space<vmem>>) dst(%dma_wait3A_98 : memref<16384xf32, #tpu.memory_space<hbm>>)
      tpu.yield
    }) : () -> ()
    %lt3A = arith.constant 13 : i32
    %lt3A_85 = arith.cmpi slt, %add3A, %lt3A : i32
    %convert_element_type3A = arith.extui %lt3A_85 : i1 to i32
    %cond3A = arith.constant 0 : i32
    %cond3A_86 = arith.cmpi ne, %convert_element_type3A, %cond3A : i32
    scf.if %cond3A_86 {
      %add3A_87 = arith.constant 26 : i32
      %add3A_88 = arith.addi %add3A_87, %add3A : i32
      "tpu.region"() ({
        %run_scoped3A = tpu.sem_alloc : memref<!tpu.dma_semaphore, #tpu.memory_space<semaphore_mem>>
        %dma_start3A_91 = arith.constant 0 : i32
        %dma_start3A_92 = tpu.memref_slice %arg2[%add3A_88, %dma_start3A_91] : memref<39x16384xf32, #tpu.memory_space<hbm>> -> memref<1x16384xf32, #tpu.memory_space<hbm>>
        %dma_start3A_93 = tpu.memref_squeeze %dma_start3A_92 : memref<1x16384xf32, #tpu.memory_space<hbm>> -> memref<16384xf32, #tpu.memory_space<hbm>>
        %dma_start3A_94 = arith.constant 0 : i32
        %dma_start3A_95 = tpu.memref_slice %arg2[%add3A_88, %dma_start3A_94] : memref<39x16384xf32, #tpu.memory_space<hbm>> -> memref<1x16384xf32, #tpu.memory_space<hbm>>
        %dma_start3A_96 = tpu.memref_squeeze %dma_start3A_95 : memref<1x16384xf32, #tpu.memory_space<hbm>> -> memref<16384xf32, #tpu.memory_space<hbm>>
        tpu.enqueue_dma source(%dma_start3A_96 : memref<16384xf32, #tpu.memory_space<hbm>>) target(%arg6 : memref<16384xf32, #tpu.memory_space<vmem>>) target_semaphore(%run_scoped3A : memref<!tpu.dma_semaphore, #tpu.memory_space<semaphore_mem>>)
        %dma_wait3A_97 = arith.constant 0 : i32
        %dma_wait3A_98 = tpu.memref_slice %arg2[%add3A_88, %dma_wait3A_97] : memref<39x16384xf32, #tpu.memory_space<hbm>> -> memref<1x16384xf32, #tpu.memory_space<hbm>>
        %dma_wait3A_99 = tpu.memref_squeeze %dma_wait3A_98 : memref<1x16384xf32, #tpu.memory_space<hbm>> -> memref<16384xf32, #tpu.memory_space<hbm>>
        %dma_wait3A_100 = arith.constant 0 : i32
        %dma_wait3A_101 = tpu.memref_slice %arg2[%add3A_88, %dma_wait3A_100] : memref<39x16384xf32, #tpu.memory_space<hbm>> -> memref<1x16384xf32, #tpu.memory_space<hbm>>
        %dma_wait3A_102 = tpu.memref_squeeze %dma_wait3A_101 : memref<1x16384xf32, #tpu.memory_space<hbm>> -> memref<16384xf32, #tpu.memory_space<hbm>>
        tpu.wait_dma2 semaphore(%run_scoped3A : memref<!tpu.dma_semaphore, #tpu.memory_space<semaphore_mem>>) src(%dma_wait3A_102 : memref<16384xf32, #tpu.memory_space<hbm>>) dst(%arg6 : memref<16384xf32, #tpu.memory_space<vmem>>)
        tpu.yield
      }) : () -> ()
      %add3A_89 = arith.constant 32 : i32
      %add3A_90 = arith.addi %add3A_89, %add3A : i32
      "tpu.region"() ({
        %run_scoped3A = tpu.sem_alloc : memref<!tpu.dma_semaphore, #tpu.memory_space<semaphore_mem>>
        %dma_start3A_91 = arith.constant 0 : i32
        %dma_start3A_92 = tpu.memref_slice %arg4[%add3A_90, %dma_start3A_91] : memref<45x16384xf32, #tpu.memory_space<hbm>> -> memref<1x16384xf32, #tpu.memory_space<hbm>>
        %dma_start3A_93 = tpu.memref_squeeze %dma_start3A_92 : memref<1x16384xf32, #tpu.memory_space<hbm>> -> memref<16384xf32, #tpu.memory_space<hbm>>
        %dma_start3A_94 = arith.constant 0 : i32
        %dma_start3A_95 = tpu.memref_slice %arg4[%add3A_90, %dma_start3A_94] : memref<45x16384xf32, #tpu.memory_space<hbm>> -> memref<1x16384xf32, #tpu.memory_space<hbm>>
        %dma_start3A_96 = tpu.memref_squeeze %dma_start3A_95 : memref<1x16384xf32, #tpu.memory_space<hbm>> -> memref<16384xf32, #tpu.memory_space<hbm>>
        tpu.enqueue_dma source(%arg6 : memref<16384xf32, #tpu.memory_space<vmem>>) target(%dma_start3A_96 : memref<16384xf32, #tpu.memory_space<hbm>>) target_semaphore(%run_scoped3A : memref<!tpu.dma_semaphore, #tpu.memory_space<semaphore_mem>>)
        %dma_wait3A_97 = arith.constant 0 : i32
        %dma_wait3A_98 = tpu.memref_slice %arg4[%add3A_90, %dma_wait3A_97] : memref<45x16384xf32, #tpu.memory_space<hbm>> -> memref<1x16384xf32, #tpu.memory_space<hbm>>
        %dma_wait3A_99 = tpu.memref_squeeze %dma_wait3A_98 : memref<1x16384xf32, #tpu.memory_space<hbm>> -> memref<16384xf32, #tpu.memory_space<hbm>>
        %dma_wait3A_100 = arith.constant 0 : i32
        %dma_wait3A_101 = tpu.memref_slice %arg4[%add3A_90, %dma_wait3A_100] : memref<45x16384xf32, #tpu.memory_space<hbm>> -> memref<1x16384xf32, #tpu.memory_space<hbm>>
        %dma_wait3A_102 = tpu.memref_squeeze %dma_wait3A_101 : memref<1x16384xf32, #tpu.memory_space<hbm>> -> memref<16384xf32, #tpu.memory_space<hbm>>
        tpu.wait_dma2 semaphore(%run_scoped3A : memref<!tpu.dma_semaphore, #tpu.memory_space<semaphore_mem>>) src(%arg6 : memref<16384xf32, #tpu.memory_space<vmem>>) dst(%dma_wait3A_102 : memref<16384xf32, #tpu.memory_space<hbm>>)
        tpu.yield
      }) : () -> ()
    } else {
    }
    return
  }
}

</mosaic_0001>

<sc_bundles>
// kernel: _emb_kernel.3.cloned.1.call-start
scs
__scs_entry_jumppad:
0x0: {  	(pc) =	sbr.rel $0x88, $3  }
0x1: {  	(tag) =	ssettag $0x0;
	lr =	simm.s32 $0x1  }
0x2: {  	[smem:$0x3F9F] =	sst lr;
	_ =	strace $0xD0000000  }
0x3: {  	_ = 	snop  }
0x4: {  	_ = 	snop  }
0x5: {  	_ = 	snop  }
0x6: {  	_ = 	snop  }
0x7: {  	_ = 	snop  }
__scs_overlays_trampoline_lowered:
0x8: {  	[smem:$0x3FAE] =	sst s0  }
0x9: {  	[smem:$0x3FAF] =	sst s1  }
0xa: {  	[smem:$0x3FB0] =	sst s2  }
0xb: {  	[smem:$0x3FB1] =	sst s3  }
0xc: {  	[smem:$0x3FB2] =	sst s4  }
0xd: {  	[smem:$0x3FB3] =	sst s5  }
0xe: {  	[smem:$0x3FB4] =	sst s6  }
0xf: {  	[smem:$0x3FB5] =	sst s7  }
0x10: {  	[smem:$0x3FB6] =	sst s8  }
0x11: {  	[smem:$0x3FB7] =	sst s9;
	s0 =	simm.s32 @!p0 $0x0  }
0x12: {  	s1 =	sld [smem:$0x3F9D];
	s0 =	simm.s32 @p0 $0x1  }
0x13: {  	[smem:$0x3FB8] =	sst s0;
	s0 =	simm.s32 @!p1 $0x0  }
0x14: {  	s2 =	sld [smem:$0x3F9C];
	s0 =	simm.s32 @p1 $0x1  }
0x15: {  	[smem:$0x3FB9] =	sst s0;
	s0 =	simm.s32 @!p2 $0x0  }
0x16: {  	s3 =	sld [smem:$0x3FDB];
	s0 =	simm.s32 @p2 $0x1  }
0x17: {  	s4 =	simm.s32 $0x1BF5;
	[smem:$0x3FBB] =	sst s0  }
0x18: {  	s0 =	sld [smem:$0x3F9E];
	_ =	swait.ge [sflag:s4], $0x0  }
0x19: {  	s7 =	sld [smem:$0x3F9F]  }
0x1a: {  	s8 =	sadd.s32 $0xFFFFE003, lr  }
0x1b: {  	s9 =	sadd.s32 $0xFFFFFEF7, lr;
	s5 =	simm.s32 $0xFFFFFFFF;
	p2 =	slt.u32 s8, $0xFFFFF086  }
0x1c: {  	p1 =	slt.u32 s9, $0xF7A;
	s5 =	simm.s32 @!p2 $0x0  }
0x1d: {  	s5 =	simm.s32 @p1 $0x1;
	p0 =	seq.s32 s7, s2  }
0x1e: {  	s7 =	smul.u32 @!p0 $0xF7A, s2;
	p2 =	seq.s32 @!p0 s5, $0x0  }
0x1f: {  	s9 =	smul.u32 $0xF7A, s1;
	s8 =	simm.s32 @!p0 $0x1BF5;
	p2 =	por !p2, p0  }
0x20: {  	[sflag:s8] =	ssyncset.s32 @!p0 $0xFFFFF086;
	s6 =	sadd.s32 @!p0 s3, s7;
	s7 =	simm.s32 @!p0 $0x108  }
0x21: {  	s3 =	sadd.s32 s3, s9;
	s6 =	sadd.s32 @!p0 $0x88, s6;
	s7 =	simm.s32 @p2 $0x1082  }
0x22: {  	[simem:s7], [sflag:s8] =	dma.local @!p0 [hbm:s6], $0xF7A  }
0x23: {  	s9 =	sor.u32 $0xD0000000, s2;
	s6 =	simm.s32 $0x108;
	_ =	swait.ge @!p0 [sflag:s8], $0x0  }
0x24: {  	s3 =	sadd.s32 $0x88, s3;
	s6 =	simm.s32 @!p1 $0x1082;
	[sflag:s4] =	ssyncset.s32 $0xFFFFF086  }
0x25: {  	[simem:s6], [sflag:s4] =	dma.local [hbm:s3], $0xF7A  }
0x26: {  	[smem:$0x3F9F] =	sst s1;
	(tag) =	ssettag s2;
	_ =	strace s9  }
0x27: {  	s1 =	sld [smem:$0x3FAF]  }
0x28: {  	s2 =	sld [smem:$0x3FB0]  }
0x29: {  	s4 =	sld [smem:$0x3FB2]  }
0x2a: {  	p0 =	seq.s32 s5, $0x0;
	s5 =	sld [smem:$0x3FB3]  }
0x2b: {  	s6 =	sld [smem:$0x3FB4]  }
0x2c: {  	s7 =	sld [smem:$0x3FB5]  }
0x2d: {  	s3 =	simm.s32 $0x108;
	s8 =	sld [smem:$0x3FB6]  }
0x2e: {  	s3 =	simm.s32 @!p0 $0x1082;
	s9 =	sld [smem:$0x3FB7]  }
0x2f: {  	lr =	sadd.s32 s0, s3;
	s0 =	sld [smem:$0x3FAE]  }
0x30: {  	s3 =	sld [smem:$0x3FB1]  }
0x31: {  	[smem:$0x3FBA] =	sst s10  }
0x32: {  	s10 =	sld [smem:$0x3FB8];
	_ =	sdelay $0x3  }
0x33: {  	p0 =	seq.s32 s10, $0x1;
	s10 =	sld [smem:$0x3FBA];
	_ =	sdelay $0x3  }
0x34: {  	[smem:$0x3FBA] =	sst s10  }
0x35: {  	s10 =	sld [smem:$0x3FB9];
	_ =	sdelay $0x3  }
0x36: {  	p1 =	seq.s32 s10, $0x1;
	s10 =	sld [smem:$0x3FBA];
	_ =	sdelay $0x3  }
0x37: {  	[smem:$0x3FBA] =	sst s10  }
0x38: {  	s10 =	sld [smem:$0x3FBB]  }
0x39: {  	_ = 	snop;
	(pc) =	sbr.ind lr, $3  }
0x3a: {  	_ = 	snop  }
0x3b: {  	_ = 	snop  }
0x3c: {  	p2 =	seq.s32 s10, $0x1;
	s10 =	sld [smem:$0x3FBA]  }
0x3d: {  	_ =	shalt  }
0x3e: {  	_ =	shalt  }
0x3f: {  	_ =	shalt  }
0x40: {  	_ =	shalt  }
0x41: {  	_ =	shalt  }
0x42: {  	_ =	shalt  }
0x43: {  	_ =	shalt  }
0x44: {  	_ =	shalt  }
0x45: {  	_ =	shalt  }
0x46: {  	_ =	shalt  }
0x47: {  	_ =	shalt  }
0x48: {  	_ =	shalt  }
0x49: {  	_ =	shalt  }
0x4a: {  	_ =	shalt  }
0x4b: {  	_ =	shalt  }
0x4c: {  	_ =	shalt  }
0x4d: {  	_ =	shalt  }
0x4e: {  	_ =	shalt  }
0x4f: {  	_ =	shalt  }
0x50: {  	_ =	shalt  }
0x51: {  	_ =	shalt  }
0x52: {  	_ =	shalt  }
0x53: {  	_ =	shalt  }
0x54: {  	_ =	shalt  }
0x55: {  	_ =	shalt  }
0x56: {  	_ =	shalt  }
0x57: {  	_ =	shalt  }
0x58: {  	_ =	shalt  }
0x59: {  	_ =	shalt  }
0x5a: {  	_ =	shalt  }
0x5b: {  	_ =	shalt  }
0x5c: {  	_ =	shalt  }
0x5d: {  	_ =	shalt  }
0x5e: {  	_ =	shalt  }
0x5f: {  	_ =	shalt  }
0x60: {  	_ =	shalt  }
0x61: {  	_ =	shalt  }
0x62: {  	_ =	shalt  }
0x63: {  	_ =	shalt  }
0x64: {  	_ =	shalt  }
0x65: {  	_ =	shalt  }
0x66: {  	_ =	shalt  }
0x67: {  	_ =	shalt  }
0x68: {  	_ =	shalt  }
0x69: {  	_ =	shalt  }
0x6a: {  	_ =	shalt  }
0x6b: {  	_ =	shalt  }
0x6c: {  	_ =	shalt  }
0x6d: {  	_ =	shalt  }
0x6e: {  	_ =	shalt  }
0x6f: {  	_ =	shalt  }
0x70: {  	_ =	shalt  }
0x71: {  	_ =	shalt  }
0x72: {  	_ =	shalt  }
0x73: {  	_ =	shalt  }
0x74: {  	_ =	shalt  }
0x75: {  	_ =	shalt  }
0x76: {  	_ =	shalt  }
0x77: {  	_ =	shalt  }
0x78: {  	_ =	shalt  }
0x79: {  	_ =	shalt  }
0x7a: {  	_ =	shalt  }
0x7b: {  	_ =	shalt  }
0x7c: {  	_ =	shalt  }
0x7d: {  	_ =	shalt  }
0x7e: {  	_ =	shalt  }
0x7f: {  	_ =	shalt  }
0x80: {  	_ =	shalt  }
0x81: {  	_ =	shalt  }
0x82: {  	_ =	shalt  }
0x83: {  	_ =	shalt  }
0x84: {  	_ =	shalt  }
0x85: {  	_ =	shalt  }
0x86: {  	_ =	shalt  }
0x87: {  	_ =	shalt  }
.Lfunc_end0:
.L_simem_size_0:
called_computation_lowered:
.L_overlay_start_0:
0x88: {  	s2 =	sld [smem:$0x3FD9]  }
0x89: {  	s3 =	sld [smem:$0x3FFE];
	_ =	sdelay $0x1  }
0x8a: {  	s1 =	srdreg.scid  }
0x8b: {  	s0 =	sand.u32 $0x1, s1  }
0x8c: {  	s18 =	sshll.u32 s0, $0xA;
	s2 =	sadd.s32 s3, s2  }
0x8d: {  	s2 =	sadd.s32 s2, s18  }
0x8e: {  	[smem:$0x3FC6] =	sst s2  }
0x8f: {  	_ = 	snop  }
0x90: {  	s2 =	sld [smem:$0x3FC9]  }
0x91: {  	s19 =	sld [smem:$0x3FC8]  }
0x92: {  	s4 =	sld [smem:$0x3FD0];
	(tm) =	ssettm $0x1  }
0x93: {  	s5 =	sld [smem:$0x3FFB];
	_ =	sdelay $0x3  }
0x94: {  	_ =	strace s5  }
0x95: {  	s5 =	sld [smem:$0x3FFC];
	_ =	sdelay $0x3  }
0x96: {  	_ =	strace s5  }
0x97: {  	s5 =	sld [smem:$0x3FFD];
	_ =	sdelay $0x3  }
0x98: {  	_ =	strace s5  }
0x99: {  	_ =	strace $0x8FFFFFFF  }
0x9a: {  	s20 =	sld [smem:$0x3FDB];
	_ =	sdelay $0x1  }
0x9b: {  	s6 =	simm.s32 $_scs_section_size  }
0x9c: {  	s7 =	simm.s32 $_size__tile_overlayer_lowered;
	s8 =	simm.s32 $_tile_overlayer_lowered  }
0x9d: {  	s23 =	simm.s32 $0x1BFF;
	s22 =	sshll.u32 s8, $0x1;
	s5 =	sadd.s32 s6, s20  }
0x9e: {  	s9 =	simm.s32 $0x0;
	s21 =	sshll.u32 s7, $0x1;
	s7 =	sadd.s32 s22, s5  }
0x9f: {  	[timem:s9], [sflag:s23] =	dma.local [hbm:s7], s21  }
0xa0: {  	_ =	swait.ge [sflag:s23], s21  }
0xa1: {  	s6 =	ssub.s32 $0x0, s21;
	[sflag:s23] =	ssyncset.done $0x0  }
0xa2: {  	[sflag:s23] =	ssyncadd.s32 s6;
	_ =	sdelay $0x1  }
0xa3: {  	s24 =	simm.s32 $0x1B8B  }
0xa4: {  	_ =	swait.ge [sflag:s24], $0x1  }
0xa5: {  	[sflag:s24] =	ssyncset.done $0x0  }
0xa6: {  	s25 =	simm.s32 $0x1B8E;
	[sflag:s24] =	ssyncadd.s32 $0xFFFFFFFF  }
0xa7: {  	s26 =	simm.s32 $execute0_lowered;
	[smem:$0x3FD2] =	sst s25  }
0xa8: {  	s6 =	sshll.u32 s26, $0x1;
	_ =	strace $0x80000046;
	[dreg:$0x1] =	wrdreg $0xFFFFFFFF  }
0xa9: {  	s28 =	simm.s32 $_size_execute0_lowered;
	s5 =	sadd.s32 s5, s6;
	[dreg:$0x0] =	wrdreg $0x0  }
0xaa: {  	s6 =	sshll.u32 s28, $0x1;
	[dreg:$0x2] =	wrdreg s5  }
0xab: {  	[dreg:$0x3] =	wrdreg s6  }
0xac: {  	[dreg:$0x4] =	wrdreg $0xC0  }
0xad: {  	_ =	task [dreg:s9], $0x5FFFF  }
0xae: {  	[dreg:$0x1] =	wrdreg $0xFFFFFFFF  }
0xaf: {  	[dreg:$0x0] =	wrdreg $0x60  }
0xb0: {  	[dreg:$0x2] =	wrdreg s2  }
0xb1: {  	[dreg:$0x3] =	wrdreg s19  }
0xb2: {  	[dreg:$0x4] =	wrdreg s4  }
0xb3: {  	[dreg:$0x5] =	wrdreg $0x9  }
0xb4: {  	_ =	task.clear_ibuf [dreg:s9], $0x6FFFF;
	_ =	strace $0x90000046  }
0xb5: {  	s29 =	simm.s32 $0x9;
	_ =	strace $0x80000048  }
0xb6: {  	_ =	swait.ge [sflag:s29], $0x1  }
0xb7: {  	[sflag:s29] =	ssyncadd.s32 $0xFFFFFFFF  }
0xb8: {  	_ =	strace $0x90000048  }
0xb9: {  	_ =	sfence  }
0xba: {  	s30 =	sld [smem:$0x0];
	_ =	sdelay $0x2  }
0xbb: {  	s31 =	sshll.u32 s1, $0xD;
	s1 =	sshrl.u32 s1, $0x2  }
0xbc: {  	s3 =	sand.u32 $0x4000, s31;
	s1 =	sadd.s32 s1, s30  }
0xbd: {  	s0 =	sor.u32 s3, s0;
	s1 =	sshll.u32 s1, $0x11  }
0xbe: {  	s0 =	sor.u32 s1, s0  }
0xbf: {  	s0 =	sadd.s32 $0x8F2B, s0  }
0xc0: {  	[sflag:s0] =	ssyncadd.remote.s32 $0x1  }
0xc1: {  	_ =	sfence.sel $0xFFFF  }
0xc2: {  	[dreg:$0x0] =	wrdreg $0xFFFFFFFF;
	(pc) =	sbr.abs _section_cstart, $3  }
0xc3: {  	[dreg:$0x1] =	wrdreg $0xFFFFFFFF  }
0xc4: {  	_ =	task.clear_ibuf [dreg:s9], $0x2FFFF;
	_ =	strace $0x9FFFFFFF  }
0xc5: {  	(tm) =	ssettm $0x7FFFFFFF  }
tec
execute0_lowered:
.L_overlay_start_1:
0x0: {  	(tag) =	ssettag $0x1  }
0x1: {  	s2 =	rddreg [dreg:$0x0]  }
0x2: {  	s3 =	rddreg [dreg:$0x1]  }
0x3: {  	s12 =	rddreg [dreg:$0x2]  }
0x4: {  	s4 =	srdreg.scid;
	s1 =	stileid.u32  }
0x5: {  	s0 =	rddreg [dreg:$0x3];
	s17 =	simm.s32 $0x1;
	s18 =	simm.s32 $0x2  }
0x6: {  	s19 =	simm.s32 $0x1D700;
	s21 =	simm.s32 $0x3;
	s22 =	simm.s32 $0x0  }
0x7: {  	s5 =	sand.u32 $0x1, s4;
	s6 =	sshll.u32 s1, $0x1;
	s4 =	simm.s32 $0x0  }
0x8: {  	s8 =	sshrl.u32 s1, $0x2;
	s13 =	sshll.u32 s1, $0xF;
	s20 =	sor.u32 s5, s6  }
0x9: {  	[smem:$0x7FF] =	sst s4;
	s28 =	smul.u32 $0xC3800, s8;
	s9 =	ssub.s32 $0x2, s5  }
0xa: {  	s30 =	sshll.u32 s8, $0x11;
	s8 =	sadd.s32 $0x2000, s2;
	s7 =	sshll.u32 s20, $0x7  }
0xb: {  	_ =	strace $0x80000047;
	s11 =	sshrl.u32 s9, $0x1;
	s31 =	sadd.s32 $0x1A, s20  }
0xc: {  	p0 =	sgt.u32 s20, $0xC;
	s20 =	simm.s32 $0x18700;
	s10 =	sand.u32 $0x380, s7  }
0xd: {  	s14 =	ssub.s32 s9, s11;
	s29 =	sor.u32 s13, s7;
	s7 =	sadd.s32 $0x1000, s2  }
0xe: {  	s9 =	sadd.s32 $0x3000, s2;
	s15 =	sshll.u32 s31, $0x4;
	s13 =	sshll.u32 s31, $0xB  }
0xf: {  	s5 =	sor.u32 s28, s10;
	s10 =	sor.u32 s30, s10;
	s15 =	sand.u32 $0x70, s15  }
0x10: {  	s11 =	sand.u32 $0x60380, s29;
	s13 =	sand.u32 $0x1C000, s13;
	s6 =	sshrl.u32 s5, $0x3  }
0x11: {  	s10 =	sshrl.u32 s10, $0x3;
	s15 =	sadd.s32 s2, s15;
	s16 =	sshrl.u32 s11, $0x3  }
0x12: {  	s6 =	sadd.s32 s3, s6;
	s10 =	sadd.s32 s12, s10;
	s11 =	sadd.s32 s13, s15  }
0x13: {  	s12 =	sadd.s32 s16, s12;
	s13 =	smax.u32 s14, $0x1;
	s14 =	simm.s32 $0x80  }
0x14: {  	s15 =	simm.s32 $0x400;
	s16 =	simm.s32 $0x1C700;
	s12 =	sadd.s32 $0x10000, s12  }
.LBB2_1:
0x15: {  	[tilespmem:s4], [sflag:$0x1] =	stream.strided.gather [hbm4b:s6+s14], $0x18700, s15, s14, $0x38;
	[tilespmem:$0x1E700] =	vst v63  }
0x16: {  	_ = 	snop  }
0x17: {  	[tilespmem:s16], [sflag:$0x2] =	stream.strided.gather [hbm4b:s2+s14], $0x1000, s15, s14, $0x38;
	[tilespmem:$0x1E700] =	vst v63  }
0x18: {  	_ =	swait.ge [sflag:s17], $0x18700  }
0x19: {  	[sflag:s17] =	ssyncset.done $0x0  }
0x1a: {  	[sflag:s17] =	ssyncadd.s32 $0xFFFE7900  }
0x1b: {  	_ =	swait.ge [sflag:s18], $0x1000  }
0x1c: {  	[sflag:s18] =	ssyncset.done $0x0  }
0x1d: {  	s23 =	simm.s32 $0x1C780;
	[sflag:s18] =	ssyncadd.s32 $0xFFFFF000  }
0x1e: {  	[tilespmem:s19], [sflag:$0x2] =	stream.strided.gather [hbm4b:s7+s14], $0x1000, s15, s14, $0x38;
	[tilespmem:$0x1E700] =	vst v63  }
0x1f: {  	v0 =	vld [tilespmem:s23+$0x70]  }
0x20: {  	v1 =	vld [tilespmem:s23+$0xFFFFFF90]  }
0x21: {  	v2 =	vld [tilespmem:s23+$0xFFFFFFA0]  }
0x22: {  	v3 =	vld [tilespmem:s23+$0xFFFFFFB0]  }
0x23: {  	v4 =	vld [tilespmem:s23+$0xFFFFFFC0]  }
0x24: {  	v5 =	vld [tilespmem:s23+$0xFFFFFFD0]  }
0x25: {  	v6 =	vld [tilespmem:s23+$0xFFFFFFE0]  }
0x26: {  	v7 =	vld [tilespmem:s23+$0xFFFFFFF0]  }
0x27: {  	v8 =	vld [tilespmem:s23+$0x0]  }
0x28: {  	v9 =	vld [tilespmem:s23+$0x10];
	v0 =	vtrunc.f32 v0  }
0x29: {  	v10 =	vld [tilespmem:s23+$0x20];
	v1 =	vtrunc.f32 v1;
	v0 =	vcvt.f32.s32 v0  }
0x2a: {  	v11 =	vld [tilespmem:s23+$0x30];
	v2 =	vtrunc.f32 v2;
	v1 =	vcvt.f32.s32 v1  }
0x2b: {  	v12 =	vld [tilespmem:s23+$0x40];
	v3 =	vtrunc.f32 v3;
	v2 =	vcvt.f32.s32 v2  }
0x2c: {  	v13 =	vld [tilespmem:s23+$0x50];
	v4 =	vtrunc.f32 v4;
	v3 =	vcvt.f32.s32 v3  }
0x2d: {  	v14 =	vld [tilespmem:s23+$0x60];
	v5 =	vtrunc.f32 v5;
	v4 =	vcvt.f32.s32 v4  }
0x2e: {  	v15 =	vld [tilespmem:s23+$0xFFFFFF80];
	v6 =	vtrunc.f32 v6;
	v5 =	vcvt.f32.s32 v5  }
0x2f: {  	v7 =	vtrunc.f32 v7;
	v6 =	vcvt.f32.s32 v6;
	v0 =	vld.idx.msk [tilespmem:v0+s4+$0x0], $0xffff  }
0x30: {  	v8 =	vtrunc.f32 v8;
	v7 =	vcvt.f32.s32 v7;
	v1 =	vld.idx.msk [tilespmem:v1+s4+$0x0], $0xffff  }
0x31: {  	v9 =	vtrunc.f32 v9;
	v8 =	vcvt.f32.s32 v8;
	v2 =	vld.idx.msk [tilespmem:v2+s4+$0x0], $0xffff  }
0x32: {  	v11 =	vtrunc.f32 v11;
	v9 =	vcvt.f32.s32 v9;
	v3 =	vld.idx.msk [tilespmem:v3+s4+$0x0], $0xffff  }
0x33: {  	v10 =	vtrunc.f32 v10;
	v11 =	vcvt.f32.s32 v11;
	v4 =	vld.idx.msk [tilespmem:v4+s4+$0x0], $0xffff  }
0x34: {  	s23 =	simm.s32 $0x18780;
	v12 =	vtrunc.f32 v12;
	v10 =	vcvt.f32.s32 v10;
	v5 =	vld.idx.msk [tilespmem:v5+s4+$0x0], $0xffff  }
0x35: {  	v15 =	vtrunc.f32 v15;
	v12 =	vcvt.f32.s32 v12;
	v6 =	vld.idx.msk [tilespmem:v6+s4+$0x0], $0xffff;
	[tilespmem:s23+$0x70] =	vst v0  }
0x36: {  	v13 =	vtrunc.f32 v13;
	v7 =	vld.idx.msk [tilespmem:v7+s4+$0x0], $0xffff;
	v0 =	vcvt.f32.s32 v15;
	[tilespmem:s23+$0xFFFFFF90] =	vst v1  }
0x37: {  	v13 =	vcvt.f32.s32 v13;
	v8 =	vld.idx.msk [tilespmem:v8+s4+$0x0], $0xffff;
	v1 =	vtrunc.f32 v14;
	[tilespmem:s23+$0xFFFFFFA0] =	vst v2  }
0x38: {  	v9 =	vld.idx.msk [tilespmem:v9+s4+$0x0], $0xffff;
	[tilespmem:s23+$0xFFFFFFB0] =	vst v3;
	v14 =	vcvt.f32.s32 v1  }
0x39: {  	[tilespmem:s23+$0xFFFFFFC0] =	vst v4;
	v2 =	vld.idx.msk [tilespmem:v11+s4+$0x0], $0xffff  }
0x3a: {  	[tilespmem:s23+$0xFFFFFFD0] =	vst v5;
	v1 =	vld.idx.msk [tilespmem:v10+s4+$0x0], $0xffff  }
0x3b: {  	[tilespmem:s23+$0xFFFFFFE0] =	vst v6;
	v3 =	vld.idx.msk [tilespmem:v12+s4+$0x0], $0xffff  }
0x3c: {  	[tilespmem:s23+$0xFFFFFFF0] =	vst v7;
	v0 =	vld.idx.msk [tilespmem:v0+s4+$0x0], $0xffff  }
0x3d: {  	[tilespmem:s23+$0x0] =	vst v8;
	v4 =	vld.idx.msk [tilespmem:v13+s4+$0x0], $0xffff  }
0x3e: {  	s24 =	simm.s32 $0x0;
	s25 =	simm.s32 $0x1C880;
	[tilespmem:s23+$0x10] =	vst v9;
	v5 =	vld.idx.msk [tilespmem:v14+s4+$0x0], $0xffff  }
.LBB2_2:
0x3f: {  	v6 =	vld [tilespmem:s25+$0x70];
	s24 =	sadd.s32 $0x10, s24;
	[tilespmem:s23+$0x20] =	vst v1  }
0x40: {  	v1 =	vld [tilespmem:s25+$0xFFFFFF90];
	p1 =	slt.u32 s24, $0xF0;
	[tilespmem:s23+$0x30] =	vst v2  }
0x41: {  	v2 =	vld [tilespmem:s25+$0xFFFFFFA0];
	[tilespmem:s23+$0xFFFFFF80] =	vst v0  }
0x42: {  	v0 =	vld [tilespmem:s25+$0xFFFFFFB0];
	[tilespmem:s23+$0x40] =	vst v3  }
0x43: {  	v3 =	vld [tilespmem:s25+$0xFFFFFFC0];
	[tilespmem:s23+$0x50] =	vst v4  }
0x44: {  	v4 =	vld [tilespmem:s25+$0xFFFFFFD0];
	v6 =	vtrunc.f32 v6;
	[tilespmem:s23+$0x60] =	vst v5  }
0x45: {  	v1 =	vtrunc.f32 v1;
	v5 =	vld [tilespmem:s25+$0xFFFFFFE0];
	v6 =	vcvt.f32.s32 v6  }
0x46: {  	v1 =	vcvt.f32.s32 v1;
	v2 =	vtrunc.f32 v2;
	v7 =	vld [tilespmem:s25+$0xFFFFFFF0]  }
0x47: {  	v2 =	vcvt.f32.s32 v2;
	v0 =	vtrunc.f32 v0;
	v8 =	vld [tilespmem:s25+$0x0]  }
0x48: {  	v0 =	vcvt.f32.s32 v0;
	v3 =	vtrunc.f32 v3;
	v9 =	vld [tilespmem:s25+$0x10]  }
0x49: {  	v3 =	vcvt.f32.s32 v3;
	v4 =	vtrunc.f32 v4;
	v10 =	vld [tilespmem:s25+$0x20]  }
0x4a: {  	v4 =	vcvt.f32.s32 v4;
	v5 =	vtrunc.f32 v5;
	v11 =	vld [tilespmem:s25+$0x30]  }
0x4b: {  	v5 =	vcvt.f32.s32 v5;
	v7 =	vtrunc.f32 v7;
	v6 =	vld.idx.msk [tilespmem:v6+s4+$0x0], $0xffff  }
0x4c: {  	v7 =	vcvt.f32.s32 v7;
	v8 =	vtrunc.f32 v8;
	v12 =	vld [tilespmem:s25+$0x40]  }
0x4d: {  	v8 =	vcvt.f32.s32 v8;
	v9 =	vtrunc.f32 v9;
	v13 =	vld [tilespmem:s25+$0x50]  }
0x4e: {  	v9 =	vcvt.f32.s32 v9;
	v10 =	vtrunc.f32 v10;
	v14 =	vld [tilespmem:s25+$0x60]  }
0x4f: {  	v15 =	vld [tilespmem:s25+$0xFFFFFF80];
	v10 =	vcvt.f32.s32 v10;
	v11 =	vtrunc.f32 v11  }
0x50: {  	s23 =	sadd.s32 $0x100, s23;
	v1 =	vld.idx.msk [tilespmem:v1+s4+$0x0], $0xffff;
	v11 =	vcvt.f32.s32 v11  }
0x51: {  	v2 =	vld.idx.msk [tilespmem:v2+s4+$0x0], $0xffff;
	v12 =	vtrunc.f32 v12;
	[tilespmem:s23+$0x70] =	vst v6  }
0x52: {  	v0 =	vld.idx.msk [tilespmem:v0+s4+$0x0], $0xffff;
	v6 =	vcvt.f32.s32 v12;
	v12 =	vtrunc.f32 v13  }
0x53: {  	v3 =	vld.idx.msk [tilespmem:v3+s4+$0x0], $0xffff;
	v12 =	vcvt.f32.s32 v12;
	v13 =	vtrunc.f32 v14  }
0x54: {  	v14 =	vtrunc.f32 v15;
	v4 =	vld.idx.msk [tilespmem:v4+s4+$0x0], $0xffff;
	v13 =	vcvt.f32.s32 v13  }
0x55: {  	v14 =	vcvt.f32.s32 v14;
	v5 =	vld.idx.msk [tilespmem:v5+s4+$0x0], $0xffff  }
0x56: {  	[tilespmem:s23+$0xFFFFFF90] =	vst v1;
	v7 =	vld.idx.msk [tilespmem:v7+s4+$0x0], $0xffff  }
0x57: {  	[tilespmem:s23+$0xFFFFFFA0] =	vst v2;
	v8 =	vld.idx.msk [tilespmem:v8+s4+$0x0], $0xffff  }
0x58: {  	[tilespmem:s23+$0xFFFFFFB0] =	vst v0;
	v9 =	vld.idx.msk [tilespmem:v9+s4+$0x0], $0xffff  }
0x59: {  	[tilespmem:s23+$0xFFFFFFC0] =	vst v3;
	v1 =	vld.idx.msk [tilespmem:v10+s4+$0x0], $0xffff  }
.Ltmp0:
0x5a: {  	[tilespmem:s23+$0xFFFFFFD0] =	vst v4;
	v2 =	vld.idx.msk [tilespmem:v11+s4+$0x0], $0xffff;
	(pc) =	sbr.rel @p1 .LBB2_2-.Ltmp0, $4  }
0x5b: {  	v0 =	vld.idx.msk [tilespmem:v14+s4+$0x0], $0xffff;
	[tilespmem:s23+$0xFFFFFFE0] =	vst v5  }
0x5c: {  	[tilespmem:s23+$0xFFFFFFF0] =	vst v7;
	v3 =	vld.idx.msk [tilespmem:v6+s4+$0x0], $0xffff  }
0x5d: {  	[tilespmem:s23+$0x0] =	vst v8;
	v4 =	vld.idx.msk [tilespmem:v12+s4+$0x0], $0xffff  }
0x5e: {  	s25 =	sadd.s32 $0x100, s25;
	[tilespmem:s23+$0x10] =	vst v9;
	v5 =	vld.idx.msk [tilespmem:v13+s4+$0x0], $0xffff  }
0x5f: {  	[tilespmem:s23+$0x20] =	vst v1  }
0x60: {  	[tilespmem:s23+$0x30] =	vst v2  }
0x61: {  	[tilespmem:s23+$0xFFFFFF80] =	vst v0  }
0x62: {  	[tilespmem:s23+$0x40] =	vst v3  }
0x63: {  	[tilespmem:s23+$0x50] =	vst v4  }
0x64: {  	[tilespmem:s23+$0x60] =	vst v5  }
0x65: {  	_ =	swait.ge [sflag:s18], $0x1000  }
0x66: {  	[sflag:s18] =	ssyncset.done $0x0  }
0x67: {  	s31 =	simm.s32 $0x1D780;
	[sflag:s18] =	ssyncadd.s32 $0xFFFFF000  }
0x68: {  	[tilespmem:s16], [sflag:$0x2] =	stream.strided.gather [hbm4b:s8+s14], $0x1000, s15, s14, $0x38;
	[tilespmem:$0x1E700] =	vst v63  }
0x69: {  	v0 =	vld [tilespmem:s31+$0x70]  }
0x6a: {  	v1 =	vld [tilespmem:s31+$0xFFFFFF90]  }
0x6b: {  	v2 =	vld [tilespmem:s31+$0xFFFFFFA0]  }
0x6c: {  	v3 =	vld [tilespmem:s31+$0xFFFFFFB0]  }
0x6d: {  	v4 =	vld [tilespmem:s31+$0xFFFFFFC0]  }
0x6e: {  	v5 =	vld [tilespmem:s31+$0xFFFFFFD0]  }
0x6f: {  	v6 =	vld [tilespmem:s31+$0xFFFFFFE0]  }
0x70: {  	v7 =	vld [tilespmem:s31+$0xFFFFFFF0]  }
0x71: {  	v8 =	vld [tilespmem:s31+$0x0]  }
0x72: {  	v9 =	vld [tilespmem:s31+$0x10];
	v0 =	vtrunc.f32 v0  }
0x73: {  	v10 =	vld [tilespmem:s31+$0x20];
	v1 =	vtrunc.f32 v1;
	v0 =	vcvt.f32.s32 v0  }
0x74: {  	v11 =	vld [tilespmem:s31+$0x30];
	v2 =	vtrunc.f32 v2;
	v1 =	vcvt.f32.s32 v1  }
0x75: {  	v12 =	vld [tilespmem:s31+$0x40];
	v3 =	vtrunc.f32 v3;
	v2 =	vcvt.f32.s32 v2  }
0x76: {  	v13 =	vld [tilespmem:s31+$0x50];
	v4 =	vtrunc.f32 v4;
	v3 =	vcvt.f32.s32 v3  }
0x77: {  	v14 =	vld [tilespmem:s31+$0x60];
	v5 =	vtrunc.f32 v5;
	v4 =	vcvt.f32.s32 v4  }
0x78: {  	v15 =	vld [tilespmem:s31+$0xFFFFFF80];
	v6 =	vtrunc.f32 v6;
	v5 =	vcvt.f32.s32 v5  }
0x79: {  	v7 =	vtrunc.f32 v7;
	v6 =	vcvt.f32.s32 v6;
	v0 =	vld.idx.msk [tilespmem:v0+s4+$0x0], $0xffff  }
0x7a: {  	v8 =	vtrunc.f32 v8;
	v7 =	vcvt.f32.s32 v7;
	v1 =	vld.idx.msk [tilespmem:v1+s4+$0x0], $0xffff  }
0x7b: {  	v9 =	vtrunc.f32 v9;
	v8 =	vcvt.f32.s32 v8;
	v2 =	vld.idx.msk [tilespmem:v2+s4+$0x0], $0xffff  }
0x7c: {  	v11 =	vtrunc.f32 v11;
	v9 =	vcvt.f32.s32 v9;
	v3 =	vld.idx.msk [tilespmem:v3+s4+$0x0], $0xffff  }
0x7d: {  	v10 =	vtrunc.f32 v10;
	v11 =	vcvt.f32.s32 v11;
	v4 =	vld.idx.msk [tilespmem:v4+s4+$0x0], $0xffff  }
0x7e: {  	s23 =	simm.s32 $0x197F0;
	v12 =	vtrunc.f32 v12;
	v10 =	vcvt.f32.s32 v10;
	v5 =	vld.idx.msk [tilespmem:v5+s4+$0x0], $0xffff  }
0x7f: {  	v15 =	vtrunc.f32 v15;
	v12 =	vcvt.f32.s32 v12;
	v6 =	vld.idx.msk [tilespmem:v6+s4+$0x0], $0xffff;
	[tilespmem:s23+$0x0] =	vst v0  }
0x80: {  	v13 =	vtrunc.f32 v13;
	v7 =	vld.idx.msk [tilespmem:v7+s4+$0x0], $0xffff;
	v0 =	vcvt.f32.s32 v15;
	[tilespmem:s23+$0xFFFFFF20] =	vst v1  }
0x81: {  	v13 =	vcvt.f32.s32 v13;
	v8 =	vld.idx.msk [tilespmem:v8+s4+$0x0], $0xffff;
	v1 =	vtrunc.f32 v14;
	[tilespmem:s23+$0xFFFFFF30] =	vst v2  }
0x82: {  	v9 =	vld.idx.msk [tilespmem:v9+s4+$0x0], $0xffff;
	[tilespmem:s23+$0xFFFFFF40] =	vst v3;
	v14 =	vcvt.f32.s32 v1  }
0x83: {  	[tilespmem:s23+$0xFFFFFF50] =	vst v4;
	v2 =	vld.idx.msk [tilespmem:v11+s4+$0x0], $0xffff  }
0x84: {  	[tilespmem:s23+$0xFFFFFF60] =	vst v5;
	v1 =	vld.idx.msk [tilespmem:v10+s4+$0x0], $0xffff  }
0x85: {  	[tilespmem:s23+$0xFFFFFF70] =	vst v6;
	v3 =	vld.idx.msk [tilespmem:v12+s4+$0x0], $0xffff  }
0x86: {  	[tilespmem:s23+$0xFFFFFF80] =	vst v7;
	v0 =	vld.idx.msk [tilespmem:v0+s4+$0x0], $0xffff  }
0x87: {  	[tilespmem:s23+$0xFFFFFF90] =	vst v8;
	v4 =	vld.idx.msk [tilespmem:v13+s4+$0x0], $0xffff  }
0x88: {  	s24 =	simm.s32 $0x0;
	s25 =	simm.s32 $0x1D880;
	[tilespmem:s23+$0xFFFFFFA0] =	vst v9;
	v5 =	vld.idx.msk [tilespmem:v14+s4+$0x0], $0xffff  }
.LBB2_4:
0x89: {  	v6 =	vld [tilespmem:s25+$0x70];
	s24 =	sadd.s32 $0x10, s24;
	[tilespmem:s23+$0xFFFFFFB0] =	vst v1  }
0x8a: {  	v1 =	vld [tilespmem:s25+$0xFFFFFF90];
	p1 =	slt.u32 s24, $0xF0;
	[tilespmem:s23+$0xFFFFFFC0] =	vst v2  }
0x8b: {  	v2 =	vld [tilespmem:s25+$0xFFFFFFA0];
	[tilespmem:s23+$0xFFFFFF10] =	vst v0  }
0x8c: {  	v0 =	vld [tilespmem:s25+$0xFFFFFFB0];
	[tilespmem:s23+$0xFFFFFFD0] =	vst v3  }
0x8d: {  	v3 =	vld [tilespmem:s25+$0xFFFFFFC0];
	[tilespmem:s23+$0xFFFFFFE0] =	vst v4  }
0x8e: {  	v4 =	vld [tilespmem:s25+$0xFFFFFFD0];
	v6 =	vtrunc.f32 v6;
	[tilespmem:s23+$0xFFFFFFF0] =	vst v5  }
0x8f: {  	v1 =	vtrunc.f32 v1;
	v5 =	vld [tilespmem:s25+$0xFFFFFFE0];
	v6 =	vcvt.f32.s32 v6  }
0x90: {  	v1 =	vcvt.f32.s32 v1;
	v2 =	vtrunc.f32 v2;
	v7 =	vld [tilespmem:s25+$0xFFFFFFF0]  }
0x91: {  	v2 =	vcvt.f32.s32 v2;
	v0 =	vtrunc.f32 v0;
	v8 =	vld [tilespmem:s25+$0x0]  }
0x92: {  	v0 =	vcvt.f32.s32 v0;
	v3 =	vtrunc.f32 v3;
	v9 =	vld [tilespmem:s25+$0x10]  }
0x93: {  	v3 =	vcvt.f32.s32 v3;
	v4 =	vtrunc.f32 v4;
	v10 =	vld [tilespmem:s25+$0x20]  }
0x94: {  	v4 =	vcvt.f32.s32 v4;
	v5 =	vtrunc.f32 v5;
	v11 =	vld [tilespmem:s25+$0x30]  }
0x95: {  	v5 =	vcvt.f32.s32 v5;
	v7 =	vtrunc.f32 v7;
	v6 =	vld.idx.msk [tilespmem:v6+s4+$0x0], $0xffff  }
0x96: {  	v7 =	vcvt.f32.s32 v7;
	v8 =	vtrunc.f32 v8;
	v12 =	vld [tilespmem:s25+$0x40]  }
0x97: {  	v8 =	vcvt.f32.s32 v8;
	v9 =	vtrunc.f32 v9;
	v13 =	vld [tilespmem:s25+$0x50]  }
0x98: {  	v9 =	vcvt.f32.s32 v9;
	v10 =	vtrunc.f32 v10;
	v14 =	vld [tilespmem:s25+$0x60]  }
0x99: {  	v15 =	vld [tilespmem:s25+$0xFFFFFF80];
	v10 =	vcvt.f32.s32 v10;
	v11 =	vtrunc.f32 v11  }
0x9a: {  	s23 =	sadd.s32 $0x100, s23;
	v1 =	vld.idx.msk [tilespmem:v1+s4+$0x0], $0xffff;
	v11 =	vcvt.f32.s32 v11  }
0x9b: {  	v2 =	vld.idx.msk [tilespmem:v2+s4+$0x0], $0xffff;
	v12 =	vtrunc.f32 v12;
	[tilespmem:s23+$0x0] =	vst v6  }
0x9c: {  	v0 =	vld.idx.msk [tilespmem:v0+s4+$0x0], $0xffff;
	v6 =	vcvt.f32.s32 v12;
	v12 =	vtrunc.f32 v13  }
0x9d: {  	v3 =	vld.idx.msk [tilespmem:v3+s4+$0x0], $0xffff;
	v12 =	vcvt.f32.s32 v12;
	v13 =	vtrunc.f32 v14  }
0x9e: {  	v14 =	vtrunc.f32 v15;
	v4 =	vld.idx.msk [tilespmem:v4+s4+$0x0], $0xffff;
	v13 =	vcvt.f32.s32 v13  }
0x9f: {  	v14 =	vcvt.f32.s32 v14;
	v5 =	vld.idx.msk [tilespmem:v5+s4+$0x0], $0xffff  }
0xa0: {  	[tilespmem:s23+$0xFFFFFF20] =	vst v1;
	v7 =	vld.idx.msk [tilespmem:v7+s4+$0x0], $0xffff  }
0xa1: {  	[tilespmem:s23+$0xFFFFFF30] =	vst v2;
	v8 =	vld.idx.msk [tilespmem:v8+s4+$0x0], $0xffff  }
0xa2: {  	[tilespmem:s23+$0xFFFFFF40] =	vst v0;
	v9 =	vld.idx.msk [tilespmem:v9+s4+$0x0], $0xffff  }
0xa3: {  	[tilespmem:s23+$0xFFFFFF50] =	vst v3;
	v1 =	vld.idx.msk [tilespmem:v10+s4+$0x0], $0xffff  }
.Ltmp1:
0xa4: {  	[tilespmem:s23+$0xFFFFFF60] =	vst v4;
	v2 =	vld.idx.msk [tilespmem:v11+s4+$0x0], $0xffff;
	(pc) =	sbr.rel @p1 .LBB2_4-.Ltmp1, $4  }
0xa5: {  	v0 =	vld.idx.msk [tilespmem:v14+s4+$0x0], $0xffff;
	[tilespmem:s23+$0xFFFFFF70] =	vst v5  }
0xa6: {  	[tilespmem:s23+$0xFFFFFF80] =	vst v7;
	v3 =	vld.idx.msk [tilespmem:v6+s4+$0x0], $0xffff  }
0xa7: {  	[tilespmem:s23+$0xFFFFFF90] =	vst v8;
	v4 =	vld.idx.msk [tilespmem:v12+s4+$0x0], $0xffff  }
0xa8: {  	s25 =	sadd.s32 $0x100, s25;
	[tilespmem:s23+$0xFFFFFFA0] =	vst v9;
	v5 =	vld.idx.msk [tilespmem:v13+s4+$0x0], $0xffff  }
0xa9: {  	[tilespmem:s23+$0xFFFFFFB0] =	vst v1  }
0xaa: {  	[tilespmem:s23+$0xFFFFFFC0] =	vst v2  }
0xab: {  	[tilespmem:s23+$0xFFFFFF10] =	vst v0  }
0xac: {  	[tilespmem:s23+$0xFFFFFFD0] =	vst v3  }
0xad: {  	[tilespmem:s23+$0xFFFFFFE0] =	vst v4  }
0xae: {  	[tilespmem:s23+$0xFFFFFFF0] =	vst v5  }
0xaf: {  	_ =	swait.ge [sflag:s18], $0x1000  }
0xb0: {  	[sflag:s18] =	ssyncset.done $0x0  }
0xb1: {  	s31 =	simm.s32 $0x1C780;
	[sflag:s18] =	ssyncadd.s32 $0xFFFFF000  }
0xb2: {  	[tilespmem:s19], [sflag:$0x2] =	stream.strided.gather [hbm4b:s9+s14], $0x1000, s15, s14, $0x38;
	[tilespmem:$0x1E700] =	vst v63  }
0xb3: {  	v0 =	vld [tilespmem:s31+$0x70]  }
0xb4: {  	v1 =	vld [tilespmem:s31+$0xFFFFFF90]  }
0xb5: {  	v2 =	vld [tilespmem:s31+$0xFFFFFFA0]  }
0xb6: {  	v3 =	vld [tilespmem:s31+$0xFFFFFFB0]  }
0xb7: {  	v4 =	vld [tilespmem:s31+$0xFFFFFFC0]  }
0xb8: {  	v5 =	vld [tilespmem:s31+$0xFFFFFFD0]  }
0xb9: {  	v6 =	vld [tilespmem:s31+$0xFFFFFFE0]  }
0xba: {  	v7 =	vld [tilespmem:s31+$0xFFFFFFF0]  }
0xbb: {  	v8 =	vld [tilespmem:s31+$0x0]  }
0xbc: {  	v9 =	vld [tilespmem:s31+$0x10];
	v0 =	vtrunc.f32 v0  }
0xbd: {  	v10 =	vld [tilespmem:s31+$0x20];
	v1 =	vtrunc.f32 v1;
	v0 =	vcvt.f32.s32 v0  }
0xbe: {  	v11 =	vld [tilespmem:s31+$0x30];
	v2 =	vtrunc.f32 v2;
	v1 =	vcvt.f32.s32 v1  }
0xbf: {  	v12 =	vld [tilespmem:s31+$0x40];
	v3 =	vtrunc.f32 v3;
	v2 =	vcvt.f32.s32 v2  }
0xc0: {  	v13 =	vld [tilespmem:s31+$0x50];
	v4 =	vtrunc.f32 v4;
	v3 =	vcvt.f32.s32 v3  }
0xc1: {  	v14 =	vld [tilespmem:s31+$0x60];
	v5 =	vtrunc.f32 v5;
	v4 =	vcvt.f32.s32 v4  }
0xc2: {  	v15 =	vld [tilespmem:s31+$0xFFFFFF80];
	v6 =	vtrunc.f32 v6;
	v5 =	vcvt.f32.s32 v5  }
0xc3: {  	v7 =	vtrunc.f32 v7;
	v6 =	vcvt.f32.s32 v6;
	v0 =	vld.idx.msk [tilespmem:v0+s4+$0x0], $0xffff  }
0xc4: {  	v8 =	vtrunc.f32 v8;
	v7 =	vcvt.f32.s32 v7;
	v1 =	vld.idx.msk [tilespmem:v1+s4+$0x0], $0xffff  }
0xc5: {  	v9 =	vtrunc.f32 v9;
	v8 =	vcvt.f32.s32 v8;
	v2 =	vld.idx.msk [tilespmem:v2+s4+$0x0], $0xffff  }
0xc6: {  	v11 =	vtrunc.f32 v11;
	v9 =	vcvt.f32.s32 v9;
	v3 =	vld.idx.msk [tilespmem:v3+s4+$0x0], $0xffff  }
0xc7: {  	v10 =	vtrunc.f32 v10;
	v11 =	vcvt.f32.s32 v11;
	v4 =	vld.idx.msk [tilespmem:v4+s4+$0x0], $0xffff  }
0xc8: {  	s23 =	simm.s32 $0x1A7F0;
	v12 =	vtrunc.f32 v12;
	v10 =	vcvt.f32.s32 v10;
	v5 =	vld.idx.msk [tilespmem:v5+s4+$0x0], $0xffff  }
0xc9: {  	v15 =	vtrunc.f32 v15;
	v12 =	vcvt.f32.s32 v12;
	v6 =	vld.idx.msk [tilespmem:v6+s4+$0x0], $0xffff;
	[tilespmem:s23+$0x0] =	vst v0  }
0xca: {  	v13 =	vtrunc.f32 v13;
	v7 =	vld.idx.msk [tilespmem:v7+s4+$0x0], $0xffff;
	v0 =	vcvt.f32.s32 v15;
	[tilespmem:s23+$0xFFFFFF20] =	vst v1  }
0xcb: {  	v13 =	vcvt.f32.s32 v13;
	v8 =	vld.idx.msk [tilespmem:v8+s4+$0x0], $0xffff;
	v1 =	vtrunc.f32 v14;
	[tilespmem:s23+$0xFFFFFF30] =	vst v2  }
0xcc: {  	v9 =	vld.idx.msk [tilespmem:v9+s4+$0x0], $0xffff;
	[tilespmem:s23+$0xFFFFFF40] =	vst v3;
	v14 =	vcvt.f32.s32 v1  }
0xcd: {  	[tilespmem:s23+$0xFFFFFF50] =	vst v4;
	v2 =	vld.idx.msk [tilespmem:v11+s4+$0x0], $0xffff  }
0xce: {  	[tilespmem:s23+$0xFFFFFF60] =	vst v5;
	v1 =	vld.idx.msk [tilespmem:v10+s4+$0x0], $0xffff  }
0xcf: {  	[tilespmem:s23+$0xFFFFFF70] =	vst v6;
	v3 =	vld.idx.msk [tilespmem:v12+s4+$0x0], $0xffff  }
0xd0: {  	[tilespmem:s23+$0xFFFFFF80] =	vst v7;
	v0 =	vld.idx.msk [tilespmem:v0+s4+$0x0], $0xffff  }
0xd1: {  	[tilespmem:s23+$0xFFFFFF90] =	vst v8;
	v4 =	vld.idx.msk [tilespmem:v13+s4+$0x0], $0xffff  }
0xd2: {  	s24 =	simm.s32 $0x0;
	s25 =	simm.s32 $0x1C880;
	[tilespmem:s23+$0xFFFFFFA0] =	vst v9;
	v5 =	vld.idx.msk [tilespmem:v14+s4+$0x0], $0xffff  }
.LBB2_6:
0xd3: {  	v6 =	vld [tilespmem:s25+$0x70];
	s24 =	sadd.s32 $0x10, s24;
	[tilespmem:s23+$0xFFFFFFB0] =	vst v1  }
0xd4: {  	v1 =	vld [tilespmem:s25+$0xFFFFFF90];
	p1 =	slt.u32 s24, $0xF0;
	[tilespmem:s23+$0xFFFFFFC0] =	vst v2  }
0xd5: {  	v2 =	vld [tilespmem:s25+$0xFFFFFFA0];
	[tilespmem:s23+$0xFFFFFF10] =	vst v0  }
0xd6: {  	v0 =	vld [tilespmem:s25+$0xFFFFFFB0];
	[tilespmem:s23+$0xFFFFFFD0] =	vst v3  }
0xd7: {  	v3 =	vld [tilespmem:s25+$0xFFFFFFC0];
	[tilespmem:s23+$0xFFFFFFE0] =	vst v4  }
0xd8: {  	v4 =	vld [tilespmem:s25+$0xFFFFFFD0];
	v6 =	vtrunc.f32 v6;
	[tilespmem:s23+$0xFFFFFFF0] =	vst v5  }
0xd9: {  	v1 =	vtrunc.f32 v1;
	v5 =	vld [tilespmem:s25+$0xFFFFFFE0];
	v6 =	vcvt.f32.s32 v6  }
0xda: {  	v1 =	vcvt.f32.s32 v1;
	v2 =	vtrunc.f32 v2;
	v7 =	vld [tilespmem:s25+$0xFFFFFFF0]  }
0xdb: {  	v2 =	vcvt.f32.s32 v2;
	v0 =	vtrunc.f32 v0;
	v8 =	vld [tilespmem:s25+$0x0]  }
0xdc: {  	v0 =	vcvt.f32.s32 v0;
	v3 =	vtrunc.f32 v3;
	v9 =	vld [tilespmem:s25+$0x10]  }
0xdd: {  	v3 =	vcvt.f32.s32 v3;
	v4 =	vtrunc.f32 v4;
	v10 =	vld [tilespmem:s25+$0x20]  }
0xde: {  	v4 =	vcvt.f32.s32 v4;
	v5 =	vtrunc.f32 v5;
	v11 =	vld [tilespmem:s25+$0x30]  }
0xdf: {  	v5 =	vcvt.f32.s32 v5;
	v7 =	vtrunc.f32 v7;
	v6 =	vld.idx.msk [tilespmem:v6+s4+$0x0], $0xffff  }
0xe0: {  	v7 =	vcvt.f32.s32 v7;
	v8 =	vtrunc.f32 v8;
	v12 =	vld [tilespmem:s25+$0x40]  }
0xe1: {  	v8 =	vcvt.f32.s32 v8;
	v9 =	vtrunc.f32 v9;
	v13 =	vld [tilespmem:s25+$0x50]  }
0xe2: {  	v9 =	vcvt.f32.s32 v9;
	v10 =	vtrunc.f32 v10;
	v14 =	vld [tilespmem:s25+$0x60]  }
0xe3: {  	v15 =	vld [tilespmem:s25+$0xFFFFFF80];
	v10 =	vcvt.f32.s32 v10;
	v11 =	vtrunc.f32 v11  }
0xe4: {  	s23 =	sadd.s32 $0x100, s23;
	v1 =	vld.idx.msk [tilespmem:v1+s4+$0x0], $0xffff;
	v11 =	vcvt.f32.s32 v11  }
0xe5: {  	v2 =	vld.idx.msk [tilespmem:v2+s4+$0x0], $0xffff;
	v12 =	vtrunc.f32 v12;
	[tilespmem:s23+$0x0] =	vst v6  }
0xe6: {  	v0 =	vld.idx.msk [tilespmem:v0+s4+$0x0], $0xffff;
	v6 =	vcvt.f32.s32 v12;
	v12 =	vtrunc.f32 v13  }
0xe7: {  	v3 =	vld.idx.msk [tilespmem:v3+s4+$0x0], $0xffff;
	v12 =	vcvt.f32.s32 v12;
	v13 =	vtrunc.f32 v14  }
0xe8: {  	v14 =	vtrunc.f32 v15;
	v4 =	vld.idx.msk [tilespmem:v4+s4+$0x0], $0xffff;
	v13 =	vcvt.f32.s32 v13  }
0xe9: {  	v14 =	vcvt.f32.s32 v14;
	v5 =	vld.idx.msk [tilespmem:v5+s4+$0x0], $0xffff  }
0xea: {  	[tilespmem:s23+$0xFFFFFF20] =	vst v1;
	v7 =	vld.idx.msk [tilespmem:v7+s4+$0x0], $0xffff  }
0xeb: {  	[tilespmem:s23+$0xFFFFFF30] =	vst v2;
	v8 =	vld.idx.msk [tilespmem:v8+s4+$0x0], $0xffff  }
0xec: {  	[tilespmem:s23+$0xFFFFFF40] =	vst v0;
	v9 =	vld.idx.msk [tilespmem:v9+s4+$0x0], $0xffff  }
0xed: {  	[tilespmem:s23+$0xFFFFFF50] =	vst v3;
	v1 =	vld.idx.msk [tilespmem:v10+s4+$0x0], $0xffff  }
.Ltmp2:
0xee: {  	[tilespmem:s23+$0xFFFFFF60] =	vst v4;
	v2 =	vld.idx.msk [tilespmem:v11+s4+$0x0], $0xffff;
	(pc) =	sbr.rel @p1 .LBB2_6-.Ltmp2, $4  }
0xef: {  	v0 =	vld.idx.msk [tilespmem:v14+s4+$0x0], $0xffff;
	[tilespmem:s23+$0xFFFFFF70] =	vst v5  }
0xf0: {  	[tilespmem:s23+$0xFFFFFF80] =	vst v7;
	v3 =	vld.idx.msk [tilespmem:v6+s4+$0x0], $0xffff  }
0xf1: {  	[tilespmem:s23+$0xFFFFFF90] =	vst v8;
	v4 =	vld.idx.msk [tilespmem:v12+s4+$0x0], $0xffff  }
0xf2: {  	s25 =	sadd.s32 $0x100, s25;
	[tilespmem:s23+$0xFFFFFFA0] =	vst v9;
	v5 =	vld.idx.msk [tilespmem:v13+s4+$0x0], $0xffff  }
0xf3: {  	[tilespmem:s23+$0xFFFFFFB0] =	vst v1  }
0xf4: {  	[tilespmem:s23+$0xFFFFFFC0] =	vst v2  }
0xf5: {  	[tilespmem:s23+$0xFFFFFF10] =	vst v0  }
0xf6: {  	[tilespmem:s23+$0xFFFFFFD0] =	vst v3  }
0xf7: {  	[tilespmem:s23+$0xFFFFFFE0] =	vst v4  }
0xf8: {  	[tilespmem:s23+$0xFFFFFFF0] =	vst v5  }
0xf9: {  	_ =	swait.ge [sflag:s18], $0x1000  }
0xfa: {  	[sflag:s18] =	ssyncset.done $0x0  }
0xfb: {  	s31 =	simm.s32 $0x1D780;
	[sflag:s18] =	ssyncadd.s32 $0xFFFFF000  }
0xfc: {  	v0 =	vld [tilespmem:s31+$0x70]  }
0xfd: {  	v1 =	vld [tilespmem:s31+$0xFFFFFF90]  }
0xfe: {  	v2 =	vld [tilespmem:s31+$0xFFFFFFA0]  }
0xff: {  	v3 =	vld [tilespmem:s31+$0xFFFFFFB0]  }
0x100: {  	v4 =	vld [tilespmem:s31+$0xFFFFFFC0]  }
0x101: {  	v5 =	vld [tilespmem:s31+$0xFFFFFFD0]  }
0x102: {  	v6 =	vld [tilespmem:s31+$0xFFFFFFE0]  }
0x103: {  	v7 =	vld [tilespmem:s31+$0xFFFFFFF0]  }
0x104: {  	v8 =	vld [tilespmem:s31+$0x0]  }
0x105: {  	v9 =	vld [tilespmem:s31+$0x10];
	v0 =	vtrunc.f32 v0  }
0x106: {  	v10 =	vld [tilespmem:s31+$0x20];
	v1 =	vtrunc.f32 v1;
	v0 =	vcvt.f32.s32 v0  }
0x107: {  	v11 =	vld [tilespmem:s31+$0x30];
	v2 =	vtrunc.f32 v2;
	v1 =	vcvt.f32.s32 v1  }
0x108: {  	v12 =	vld [tilespmem:s31+$0x40];
	v3 =	vtrunc.f32 v3;
	v2 =	vcvt.f32.s32 v2  }
0x109: {  	v13 =	vld [tilespmem:s31+$0x50];
	v4 =	vtrunc.f32 v4;
	v3 =	vcvt.f32.s32 v3  }
0x10a: {  	v14 =	vld [tilespmem:s31+$0x60];
	v5 =	vtrunc.f32 v5;
	v4 =	vcvt.f32.s32 v4  }
0x10b: {  	v15 =	vld [tilespmem:s31+$0xFFFFFF80];
	v6 =	vtrunc.f32 v6;
	v5 =	vcvt.f32.s32 v5  }
0x10c: {  	v7 =	vtrunc.f32 v7;
	v6 =	vcvt.f32.s32 v6;
	v0 =	vld.idx.msk [tilespmem:v0+s4+$0x0], $0xffff  }
0x10d: {  	v8 =	vtrunc.f32 v8;
	v7 =	vcvt.f32.s32 v7;
	v1 =	vld.idx.msk [tilespmem:v1+s4+$0x0], $0xffff  }
0x10e: {  	v9 =	vtrunc.f32 v9;
	v8 =	vcvt.f32.s32 v8;
	v2 =	vld.idx.msk [tilespmem:v2+s4+$0x0], $0xffff  }
0x10f: {  	v11 =	vtrunc.f32 v11;
	v9 =	vcvt.f32.s32 v9;
	v3 =	vld.idx.msk [tilespmem:v3+s4+$0x0], $0xffff  }
0x110: {  	v10 =	vtrunc.f32 v10;
	v11 =	vcvt.f32.s32 v11;
	v4 =	vld.idx.msk [tilespmem:v4+s4+$0x0], $0xffff  }
0x111: {  	s24 =	simm.s32 $0x1B7F0;
	v12 =	vtrunc.f32 v12;
	v10 =	vcvt.f32.s32 v10;
	v5 =	vld.idx.msk [tilespmem:v5+s4+$0x0], $0xffff  }
0x112: {  	v15 =	vtrunc.f32 v15;
	v12 =	vcvt.f32.s32 v12;
	v6 =	vld.idx.msk [tilespmem:v6+s4+$0x0], $0xffff;
	[tilespmem:s24+$0x0] =	vst v0  }
0x113: {  	v13 =	vtrunc.f32 v13;
	v7 =	vld.idx.msk [tilespmem:v7+s4+$0x0], $0xffff;
	v0 =	vcvt.f32.s32 v15;
	[tilespmem:s24+$0xFFFFFF20] =	vst v1  }
0x114: {  	v13 =	vcvt.f32.s32 v13;
	v8 =	vld.idx.msk [tilespmem:v8+s4+$0x0], $0xffff;
	v1 =	vtrunc.f32 v14;
	[tilespmem:s24+$0xFFFFFF30] =	vst v2  }
0x115: {  	v9 =	vld.idx.msk [tilespmem:v9+s4+$0x0], $0xffff;
	[tilespmem:s24+$0xFFFFFF40] =	vst v3;
	v14 =	vcvt.f32.s32 v1  }
0x116: {  	[tilespmem:s24+$0xFFFFFF50] =	vst v4;
	v2 =	vld.idx.msk [tilespmem:v11+s4+$0x0], $0xffff  }
0x117: {  	[tilespmem:s24+$0xFFFFFF60] =	vst v5;
	v1 =	vld.idx.msk [tilespmem:v10+s4+$0x0], $0xffff  }
0x118: {  	[tilespmem:s24+$0xFFFFFF70] =	vst v6;
	v3 =	vld.idx.msk [tilespmem:v12+s4+$0x0], $0xffff  }
0x119: {  	[tilespmem:s24+$0xFFFFFF80] =	vst v7;
	v0 =	vld.idx.msk [tilespmem:v0+s4+$0x0], $0xffff  }
0x11a: {  	[tilespmem:s24+$0xFFFFFF90] =	vst v8;
	v4 =	vld.idx.msk [tilespmem:v13+s4+$0x0], $0xffff  }
0x11b: {  	s25 =	simm.s32 $0x0;
	s26 =	simm.s32 $0x1D880;
	[tilespmem:s24+$0xFFFFFFA0] =	vst v9;
	v5 =	vld.idx.msk [tilespmem:v14+s4+$0x0], $0xffff  }
.LBB2_8:
0x11c: {  	v6 =	vld [tilespmem:s26+$0x70];
	s25 =	sadd.s32 $0x10, s25;
	[tilespmem:s24+$0xFFFFFFB0] =	vst v1  }
0x11d: {  	v1 =	vld [tilespmem:s26+$0xFFFFFF90];
	p1 =	slt.u32 s25, $0xF0;
	[tilespmem:s24+$0xFFFFFFC0] =	vst v2  }
0x11e: {  	v2 =	vld [tilespmem:s26+$0xFFFFFFA0];
	[tilespmem:s24+$0xFFFFFF10] =	vst v0  }
0x11f: {  	v0 =	vld [tilespmem:s26+$0xFFFFFFB0];
	[tilespmem:s24+$0xFFFFFFD0] =	vst v3  }
0x120: {  	v3 =	vld [tilespmem:s26+$0xFFFFFFC0];
	[tilespmem:s24+$0xFFFFFFE0] =	vst v4  }
0x121: {  	v4 =	vld [tilespmem:s26+$0xFFFFFFD0];
	v6 =	vtrunc.f32 v6;
	[tilespmem:s24+$0xFFFFFFF0] =	vst v5  }
0x122: {  	v1 =	vtrunc.f32 v1;
	v5 =	vld [tilespmem:s26+$0xFFFFFFE0];
	v6 =	vcvt.f32.s32 v6  }
0x123: {  	v1 =	vcvt.f32.s32 v1;
	v2 =	vtrunc.f32 v2;
	v7 =	vld [tilespmem:s26+$0xFFFFFFF0]  }
0x124: {  	v2 =	vcvt.f32.s32 v2;
	v0 =	vtrunc.f32 v0;
	v8 =	vld [tilespmem:s26+$0x0]  }
0x125: {  	v0 =	vcvt.f32.s32 v0;
	v3 =	vtrunc.f32 v3;
	v9 =	vld [tilespmem:s26+$0x10]  }
0x126: {  	v3 =	vcvt.f32.s32 v3;
	v4 =	vtrunc.f32 v4;
	v10 =	vld [tilespmem:s26+$0x20]  }
0x127: {  	v4 =	vcvt.f32.s32 v4;
	v5 =	vtrunc.f32 v5;
	v11 =	vld [tilespmem:s26+$0x30]  }
0x128: {  	v5 =	vcvt.f32.s32 v5;
	v7 =	vtrunc.f32 v7;
	v6 =	vld.idx.msk [tilespmem:v6+s4+$0x0], $0xffff  }
0x129: {  	v7 =	vcvt.f32.s32 v7;
	v8 =	vtrunc.f32 v8;
	v12 =	vld [tilespmem:s26+$0x40]  }
0x12a: {  	v8 =	vcvt.f32.s32 v8;
	v9 =	vtrunc.f32 v9;
	v13 =	vld [tilespmem:s26+$0x50]  }
0x12b: {  	v9 =	vcvt.f32.s32 v9;
	v10 =	vtrunc.f32 v10;
	v14 =	vld [tilespmem:s26+$0x60]  }
0x12c: {  	v15 =	vld [tilespmem:s26+$0xFFFFFF80];
	v10 =	vcvt.f32.s32 v10;
	v11 =	vtrunc.f32 v11  }
0x12d: {  	s24 =	sadd.s32 $0x100, s24;
	v1 =	vld.idx.msk [tilespmem:v1+s4+$0x0], $0xffff;
	v11 =	vcvt.f32.s32 v11  }
0x12e: {  	s23 =	simm.s32 $0x1;
	v2 =	vld.idx.msk [tilespmem:v2+s4+$0x0], $0xffff;
	v12 =	vtrunc.f32 v12;
	[tilespmem:s24+$0x0] =	vst v6  }
0x12f: {  	v0 =	vld.idx.msk [tilespmem:v0+s4+$0x0], $0xffff;
	v6 =	vcvt.f32.s32 v12;
	v12 =	vtrunc.f32 v13  }
0x130: {  	v3 =	vld.idx.msk [tilespmem:v3+s4+$0x0], $0xffff;
	v12 =	vcvt.f32.s32 v12;
	v13 =	vtrunc.f32 v14  }
0x131: {  	v14 =	vtrunc.f32 v15;
	v4 =	vld.idx.msk [tilespmem:v4+s4+$0x0], $0xffff;
	v13 =	vcvt.f32.s32 v13  }
0x132: {  	v14 =	vcvt.f32.s32 v14;
	v5 =	vld.idx.msk [tilespmem:v5+s4+$0x0], $0xffff  }
0x133: {  	[tilespmem:s24+$0xFFFFFF20] =	vst v1;
	v7 =	vld.idx.msk [tilespmem:v7+s4+$0x0], $0xffff  }
0x134: {  	[tilespmem:s24+$0xFFFFFF30] =	vst v2;
	v8 =	vld.idx.msk [tilespmem:v8+s4+$0x0], $0xffff  }
0x135: {  	[tilespmem:s24+$0xFFFFFF40] =	vst v0;
	v9 =	vld.idx.msk [tilespmem:v9+s4+$0x0], $0xffff  }
0x136: {  	[tilespmem:s24+$0xFFFFFF50] =	vst v3;
	v1 =	vld.idx.msk [tilespmem:v10+s4+$0x0], $0xffff  }
.Ltmp3:
0x137: {  	[tilespmem:s24+$0xFFFFFF60] =	vst v4;
	v2 =	vld.idx.msk [tilespmem:v11+s4+$0x0], $0xffff;
	(pc) =	sbr.rel @p1 .LBB2_8-.Ltmp3, $4  }
0x138: {  	v0 =	vld.idx.msk [tilespmem:v14+s4+$0x0], $0xffff;
	[tilespmem:s24+$0xFFFFFF70] =	vst v5  }
0x139: {  	[tilespmem:s24+$0xFFFFFF80] =	vst v7;
	v3 =	vld.idx.msk [tilespmem:v6+s4+$0x0], $0xffff  }
0x13a: {  	[tilespmem:s24+$0xFFFFFF90] =	vst v8;
	v4 =	vld.idx.msk [tilespmem:v12+s4+$0x0], $0xffff  }
0x13b: {  	s26 =	sadd.s32 $0x100, s26;
	[tilespmem:s24+$0xFFFFFFA0] =	vst v9;
	v5 =	vld.idx.msk [tilespmem:v13+s4+$0x0], $0xffff  }
0x13c: {  	[tilespmem:s24+$0xFFFFFFB0] =	vst v1  }
0x13d: {  	[tilespmem:s24+$0xFFFFFFC0] =	vst v2  }
0x13e: {  	[tilespmem:s24+$0xFFFFFF10] =	vst v0  }
0x13f: {  	[tilespmem:s24+$0xFFFFFFD0] =	vst v3  }
0x140: {  	[tilespmem:s24+$0xFFFFFFE0] =	vst v4  }
0x141: {  	[tilespmem:s24+$0xFFFFFFF0] =	vst v5  }
.LBB2_10:
0x142: {  	s24 =	smul.u32 $0x30E000, s23;
	_ =	sdelay $0x1  }
0x143: {  	s24 =	sadd.s32 s5, s24  }
0x144: {  	s24 =	sshrl.u32 s24, $0x3  }
0x145: {  	s30 =	sshll.u32 s23, $0xB;
	s25 =	sshll.u32 s23, $0x4;
	s24 =	sadd.s32 s3, s24  }
0x146: {  	[tilespmem:s4], [sflag:$0x1] =	stream.strided.gather [hbm4b:s24+s14], $0x18700, s15, s14, $0x38;
	[tilespmem:$0x1E700] =	vst v63  }
0x147: {  	s25 =	sand.u32 $0x70, s25;
	s24 =	sand.u32 $0xC000, s30  }
0x148: {  	s24 =	sor.u32 s25, s24  }
0x149: {  	s25 =	sadd.s32 s2, s24  }
0x14a: {  	[tilespmem:s16], [sflag:$0x2] =	stream.strided.gather [hbm4b:s25+s14], $0x1000, s15, s14, $0x38;
	[tilespmem:$0x1E700] =	vst v63  }
0x14b: {  	_ =	swait.ge [sflag:s17], $0x18700  }
0x14c: {  	[sflag:s17] =	ssyncset.done $0x0  }
0x14d: {  	[sflag:s17] =	ssyncadd.s32 $0xFFFE7900  }
0x14e: {  	_ =	swait.ge [sflag:s18], $0x1000  }
0x14f: {  	[sflag:s18] =	ssyncset.done $0x0  }
0x150: {  	s26 =	simm.s32 $0x1C780;
	s31 =	sadd.s32 s24, s7;
	[sflag:s18] =	ssyncadd.s32 $0xFFFFF000  }
0x151: {  	[tilespmem:s19], [sflag:$0x2] =	stream.strided.gather [hbm4b:s31+s14], $0x1000, s15, s14, $0x38;
	[tilespmem:$0x1E700] =	vst v63  }
0x152: {  	v0 =	vld [tilespmem:s26+$0x70]  }
0x153: {  	v1 =	vld [tilespmem:s26+$0xFFFFFF90]  }
0x154: {  	v2 =	vld [tilespmem:s26+$0xFFFFFFA0]  }
0x155: {  	v3 =	vld [tilespmem:s26+$0xFFFFFFB0]  }
0x156: {  	v4 =	vld [tilespmem:s26+$0xFFFFFFC0]  }
0x157: {  	v5 =	vld [tilespmem:s26+$0xFFFFFFD0]  }
0x158: {  	v6 =	vld [tilespmem:s26+$0xFFFFFFE0]  }
0x159: {  	v7 =	vld [tilespmem:s26+$0xFFFFFFF0]  }
0x15a: {  	v8 =	vld [tilespmem:s26+$0x0]  }
0x15b: {  	v9 =	vld [tilespmem:s26+$0x10]  }
0x15c: {  	v10 =	vld [tilespmem:s26+$0x20]  }
0x15d: {  	s25 =	simm.s32 $0x18780;
	v11 =	vld [tilespmem:s26+$0x30];
	v0 =	vtrunc.f32 v0  }
0x15e: {  	v13 =	vld [tilespmem:s25+$0x70];
	v0 =	vcvt.f32.s32 v0  }
0x15f: {  	v14 =	vld [tilespmem:s26+$0x50]  }
0x160: {  	v15 =	vld [tilespmem:s26+$0x60]  }
0x161: {  	v16 =	vld [tilespmem:s26+$0xFFFFFF80]  }
0x162: {  	v55 =	vld [tilespmem:s25+$0xFFFFFF80];
	v1 =	vtrunc.f32 v1  }
0x163: {  	v56 =	vld [tilespmem:s25+$0xFFFFFF90];
	v2 =	vtrunc.f32 v2;
	v1 =	vcvt.f32.s32 v1  }
0x164: {  	v12 =	vld.idx.msk [tilespmem:v0+s4+$0x0], $0xffff;
	v0 =	vcvt.f32.s32 v2;
	v2 =	vtrunc.f32 v3  }
0x165: {  	v57 =	vld [tilespmem:s25+$0xFFFFFFA0];
	v3 =	vtrunc.f32 v4;
	v2 =	vcvt.f32.s32 v2  }
0x166: {  	v20 =	vld [tilespmem:s25+$0xFFFFFFB0];
	v5 =	vtrunc.f32 v5;
	v3 =	vcvt.f32.s32 v3  }
0x167: {  	v58 =	vld [tilespmem:s25+$0xFFFFFFC0];
	v6 =	vtrunc.f32 v6;
	v8 =	vtrunc.f32 v8  }
0x168: {  	v5 =	vcvt.f32.s32 v5;
	v6 =	vcvt.f32.s32 v6;
	v4 =	vld [tilespmem:s26+$0x40]  }
0x169: {  	v17 =	vld.idx.msk [tilespmem:v1+s4+$0x0], $0xffff;
	v1 =	vcvt.f32.s32 v8;
	v8 =	vtrunc.f32 v9  }
0x16a: {  	v9 =	vld.idx.msk [tilespmem:v0+s4+$0x0], $0xffff;
	v0 =	vcvt.f32.s32 v8;
	v8 =	vtrunc.f32 v10  }
0x16b: {  	v10 =	vld.idx.msk [tilespmem:v2+s4+$0x0], $0xffff;
	v2 =	vcvt.f32.s32 v8;
	v8 =	vtrunc.f32 v11  }
0x16c: {  	v11 =	vld.idx.msk [tilespmem:v3+s4+$0x0], $0xffff;
	v3 =	vcvt.f32.s32 v8;
	v8 =	vtrunc.f32 v16  }
0x16d: {  	v59 =	vld [tilespmem:s25+$0xFFFFFFD0];
	v7 =	vtrunc.f32 v7;
	v8 =	vcvt.f32.s32 v8  }
0x16e: {  	v61 =	vld [tilespmem:s25+$0xFFFFFFE0];
	v7 =	vcvt.f32.s32 v7  }
0x16f: {  	v62 =	vld [tilespmem:s25+$0x0]  }
0x170: {  	v63 =	vld [tilespmem:s25+$0x10];
	v4 =	vtrunc.f32 v4  }
0x171: {  	v5 =	vld.idx.msk [tilespmem:v5+s4+$0x0], $0xffff;
	v53 =	vcvt.f32.s32 v4;
	v4 =	vtrunc.f32 v14  }
0x172: {  	v6 =	vld.idx.msk [tilespmem:v6+s4+$0x0], $0xffff;
	v14 =	vcvt.f32.s32 v4  }
0x173: {  	v8 =	vld.idx.msk [tilespmem:v8+s4+$0x0], $0xffff  }
0x174: {  	v7 =	vld.idx.msk [tilespmem:v7+s4+$0x0], $0xffff  }
0x175: {  	v54 =	vld.idx.msk [tilespmem:v1+s4+$0x0], $0xffff;
	v4 =	vtrunc.f32 v15  }
0x176: {  	v18 =	vcvt.f32.s32 v4;
	v19 =	vld.idx.msk [tilespmem:v0+s4+$0x0], $0xffff  }
0x177: {  	v12 =	vadd.f32 v13, v12;
	v4 =	vld.idx.msk [tilespmem:v2+s4+$0x0], $0xffff  }
0x178: {  	v1 =	vld.idx.msk [tilespmem:v14+s4+$0x0], $0xffff;
	v8 =	vadd.f32 v55, v8  }
0x179: {  	v60 =	vadd.f32 v56, v17;
	[tilespmem:s25+$0x70] =	vst v12;
	v2 =	vld.idx.msk [tilespmem:v3+s4+$0x0], $0xffff  }
0x17a: {  	[tilespmem:s25+$0xFFFFFF80] =	vst v8;
	v8 =	vadd.f32 v57, v9;
	v9 =	vld [tilespmem:s25+$0xFFFFFFF0]  }
0x17b: {  	[tilespmem:s25+$0xFFFFFF90] =	vst v60;
	v10 =	vadd.f32 v20, v10;
	v3 =	vld.idx.msk [tilespmem:v53+s4+$0x0], $0xffff  }
0x17c: {  	v0 =	vld.idx.msk [tilespmem:v18+s4+$0x0], $0xffff;
	[tilespmem:s25+$0xFFFFFFA0] =	vst v8;
	v8 =	vadd.f32 v58, v11  }
0x17d: {  	[tilespmem:s25+$0xFFFFFFB0] =	vst v10;
	v10 =	vadd.f32 v59, v5;
	v5 =	vld [tilespmem:s25+$0x20]  }
0x17e: {  	[tilespmem:s25+$0xFFFFFFC0] =	vst v8;
	v8 =	vadd.f32 v61, v6;
	v6 =	vld [tilespmem:s25+$0x30]  }
0x17f: {  	[tilespmem:s25+$0xFFFFFFD0] =	vst v10;
	v9 =	vadd.f32 v9, v7;
	v7 =	vld [tilespmem:s25+$0x40]  }
0x180: {  	v11 =	vadd.f32 v62, v54;
	[tilespmem:s25+$0xFFFFFFE0] =	vst v8;
	v8 =	vld [tilespmem:s25+$0x50]  }
0x181: {  	s28 =	simm.s32 $0x1C880;
	s26 =	simm.s32 $0x0;
	v10 =	vadd.f32 v63, v19;
	[tilespmem:s25+$0xFFFFFFF0] =	vst v9;
	v9 =	vld [tilespmem:s25+$0x60]  }
.LBB2_11:
0x182: {  	v12 =	vld [tilespmem:s28+$0x70];
	s26 =	sadd.s32 $0x10, s26;
	[tilespmem:s25+$0x0] =	vst v11;
	v4 =	vadd.f32 v5, v4  }
0x183: {  	v5 =	vld [tilespmem:s28+$0xFFFFFF90];
	p1 =	slt.u32 s26, $0xF0;
	[tilespmem:s25+$0x10] =	vst v10;
	v2 =	vadd.f32 v6, v2  }
0x184: {  	v6 =	vld [tilespmem:s28+$0xFFFFFFA0];
	[tilespmem:s25+$0x20] =	vst v4;
	v3 =	vadd.f32 v7, v3  }
0x185: {  	v4 =	vld [tilespmem:s28+$0xFFFFFFB0];
	[tilespmem:s25+$0x30] =	vst v2;
	v1 =	vadd.f32 v8, v1  }
0x186: {  	v2 =	vld [tilespmem:s28+$0xFFFFFFC0];
	[tilespmem:s25+$0x40] =	vst v3;
	v0 =	vadd.f32 v9, v0  }
0x187: {  	v3 =	vld [tilespmem:s28+$0xFFFFFFD0];
	v7 =	vtrunc.f32 v12;
	[tilespmem:s25+$0x50] =	vst v1  }
0x188: {  	v1 =	vtrunc.f32 v5;
	v5 =	vld [tilespmem:s28+$0xFFFFFFE0];
	v7 =	vcvt.f32.s32 v7;
	[tilespmem:s25+$0x60] =	vst v0  }
0x189: {  	v0 =	vcvt.f32.s32 v1;
	v1 =	vtrunc.f32 v6;
	v6 =	vld [tilespmem:s28+$0xFFFFFFF0]  }
0x18a: {  	v1 =	vcvt.f32.s32 v1;
	v4 =	vtrunc.f32 v4;
	v8 =	vld [tilespmem:s28+$0x0]  }
0x18b: {  	v4 =	vcvt.f32.s32 v4;
	v2 =	vtrunc.f32 v2;
	v9 =	vld [tilespmem:s28+$0x10]  }
0x18c: {  	v2 =	vcvt.f32.s32 v2;
	v3 =	vtrunc.f32 v3;
	v10 =	vld [tilespmem:s28+$0x20]  }
0x18d: {  	v3 =	vcvt.f32.s32 v3;
	v5 =	vtrunc.f32 v5;
	v11 =	vld [tilespmem:s28+$0x30]  }
0x18e: {  	s25 =	sadd.s32 $0x100, s25;
	v5 =	vcvt.f32.s32 v5;
	v6 =	vtrunc.f32 v6;
	v7 =	vld.idx.msk [tilespmem:v7+s4+$0x0], $0xffff  }
0x18f: {  	v6 =	vcvt.f32.s32 v6;
	v8 =	vtrunc.f32 v8;
	v12 =	vld [tilespmem:s25+$0x70]  }
0x190: {  	v8 =	vcvt.f32.s32 v8;
	v9 =	vtrunc.f32 v9;
	v13 =	vld [tilespmem:s28+$0x40]  }
0x191: {  	v9 =	vcvt.f32.s32 v9;
	v10 =	vtrunc.f32 v10;
	v14 =	vld [tilespmem:s28+$0x50]  }
0x192: {  	v10 =	vcvt.f32.s32 v10;
	v11 =	vtrunc.f32 v11;
	v15 =	vld [tilespmem:s28+$0x60]  }
0x193: {  	v16 =	vld [tilespmem:s28+$0xFFFFFF80];
	v11 =	vcvt.f32.s32 v11  }
0x194: {  	v17 =	vld.idx.msk [tilespmem:v0+s4+$0x0], $0xffff;
	v0 =	vadd.f32 v12, v7  }
0x195: {  	v7 =	vld.idx.msk [tilespmem:v1+s4+$0x0], $0xffff;
	v1 =	vtrunc.f32 v13  }
0x196: {  	v12 =	vld.idx.msk [tilespmem:v4+s4+$0x0], $0xffff;
	v1 =	vcvt.f32.s32 v1;
	v4 =	vtrunc.f32 v14;
	[tilespmem:s25+$0x70] =	vst v0  }
0x197: {  	v13 =	vld.idx.msk [tilespmem:v2+s4+$0x0], $0xffff;
	v0 =	vcvt.f32.s32 v4;
	v2 =	vtrunc.f32 v15  }
0x198: {  	v4 =	vtrunc.f32 v16;
	v14 =	vld.idx.msk [tilespmem:v3+s4+$0x0], $0xffff;
	v15 =	vcvt.f32.s32 v2  }
0x199: {  	v3 =	vcvt.f32.s32 v4;
	v16 =	vld.idx.msk [tilespmem:v5+s4+$0x0], $0xffff  }
0x19a: {  	v18 =	vld.idx.msk [tilespmem:v6+s4+$0x0], $0xffff  }
0x19b: {  	v8 =	vld.idx.msk [tilespmem:v8+s4+$0x0], $0xffff  }
0x19c: {  	v9 =	vld.idx.msk [tilespmem:v9+s4+$0x0], $0xffff  }
0x19d: {  	v4 =	vld.idx.msk [tilespmem:v10+s4+$0x0], $0xffff  }
0x19e: {  	v2 =	vld.idx.msk [tilespmem:v11+s4+$0x0], $0xffff  }
0x19f: {  	v5 =	vld.idx.msk [tilespmem:v3+s4+$0x0], $0xffff  }
0x1a0: {  	v3 =	vld.idx.msk [tilespmem:v1+s4+$0x0], $0xffff  }
0x1a1: {  	v1 =	vld.idx.msk [tilespmem:v0+s4+$0x0], $0xffff  }
0x1a2: {  	v0 =	vld.idx.msk [tilespmem:v15+s4+$0x0], $0xffff  }
0x1a3: {  	v6 =	vld [tilespmem:s25+$0xFFFFFF80]  }
0x1a4: {  	v10 =	vld [tilespmem:s25+$0xFFFFFF90]  }
0x1a5: {  	v11 =	vld [tilespmem:s25+$0xFFFFFFA0]  }
0x1a6: {  	v15 =	vld [tilespmem:s25+$0xFFFFFFB0]  }
0x1a7: {  	v19 =	vld [tilespmem:s25+$0xFFFFFFC0]  }
0x1a8: {  	v5 =	vadd.f32 v6, v5;
	v6 =	vld [tilespmem:s25+$0xFFFFFFD0]  }
0x1a9: {  	v10 =	vadd.f32 v10, v17;
	v17 =	vld [tilespmem:s25+$0xFFFFFFE0]  }
0x1aa: {  	[tilespmem:s25+$0xFFFFFF80] =	vst v5;
	v5 =	vadd.f32 v11, v7;
	v7 =	vld [tilespmem:s25+$0xFFFFFFF0]  }
0x1ab: {  	[tilespmem:s25+$0xFFFFFF90] =	vst v10;
	v10 =	vadd.f32 v15, v12;
	v11 =	vld [tilespmem:s25+$0x0]  }
0x1ac: {  	[tilespmem:s25+$0xFFFFFFA0] =	vst v5;
	v12 =	vadd.f32 v19, v13;
	v13 =	vld [tilespmem:s25+$0x10]  }
.Ltmp4:
0x1ad: {  	[tilespmem:s25+$0xFFFFFFB0] =	vst v10;
	v10 =	vadd.f32 v6, v14;
	v5 =	vld [tilespmem:s25+$0x20];
	(pc) =	sbr.rel @p1 .LBB2_11-.Ltmp4, $4  }
0x1ae: {  	[tilespmem:s25+$0xFFFFFFC0] =	vst v12;
	v12 =	vadd.f32 v17, v16;
	v6 =	vld [tilespmem:s25+$0x30]  }
0x1af: {  	[tilespmem:s25+$0xFFFFFFD0] =	vst v10;
	v10 =	vadd.f32 v7, v18;
	v7 =	vld [tilespmem:s25+$0x40]  }
0x1b0: {  	[tilespmem:s25+$0xFFFFFFE0] =	vst v12;
	v11 =	vadd.f32 v11, v8;
	v8 =	vld [tilespmem:s25+$0x50]  }
0x1b1: {  	s28 =	sadd.s32 $0x100, s28;
	[tilespmem:s25+$0xFFFFFFF0] =	vst v10;
	v10 =	vadd.f32 v13, v9;
	v9 =	vld [tilespmem:s25+$0x60]  }
0x1b2: {  	[tilespmem:s25+$0x0] =	vst v11;
	v4 =	vadd.f32 v5, v4  }
0x1b3: {  	[tilespmem:s25+$0x10] =	vst v10;
	v2 =	vadd.f32 v6, v2  }
0x1b4: {  	[tilespmem:s25+$0x20] =	vst v4;
	v3 =	vadd.f32 v7, v3  }
0x1b5: {  	[tilespmem:s25+$0x30] =	vst v2;
	v1 =	vadd.f32 v8, v1  }
0x1b6: {  	[tilespmem:s25+$0x40] =	vst v3;
	v0 =	vadd.f32 v9, v0  }
0x1b7: {  	[tilespmem:s25+$0x50] =	vst v1  }
0x1b8: {  	[tilespmem:s25+$0x60] =	vst v0  }
0x1b9: {  	_ =	swait.ge [sflag:s18], $0x1000  }
0x1ba: {  	[sflag:s18] =	ssyncset.done $0x0  }
0x1bb: {  	s31 =	sadd.s32 s24, s8;
	s26 =	simm.s32 $0x1D780;
	[sflag:s18] =	ssyncadd.s32 $0xFFFFF000  }
0x1bc: {  	[tilespmem:s16], [sflag:$0x2] =	stream.strided.gather [hbm4b:s31+s14], $0x1000, s15, s14, $0x38;
	[tilespmem:$0x1E700] =	vst v63  }
0x1bd: {  	v0 =	vld [tilespmem:s26+$0x70]  }
0x1be: {  	v1 =	vld [tilespmem:s26+$0xFFFFFF90]  }
0x1bf: {  	v2 =	vld [tilespmem:s26+$0xFFFFFFA0]  }
0x1c0: {  	v3 =	vld [tilespmem:s26+$0xFFFFFFB0]  }
0x1c1: {  	v4 =	vld [tilespmem:s26+$0xFFFFFFC0]  }
0x1c2: {  	v5 =	vld [tilespmem:s26+$0xFFFFFFD0]  }
0x1c3: {  	v6 =	vld [tilespmem:s26+$0xFFFFFFE0]  }
0x1c4: {  	v7 =	vld [tilespmem:s26+$0xFFFFFFF0]  }
0x1c5: {  	v8 =	vld [tilespmem:s26+$0x0]  }
0x1c6: {  	v9 =	vld [tilespmem:s26+$0x10]  }
0x1c7: {  	v10 =	vld [tilespmem:s26+$0x20]  }
0x1c8: {  	s25 =	simm.s32 $0x197F0;
	v11 =	vld [tilespmem:s26+$0x30];
	v0 =	vtrunc.f32 v0  }
0x1c9: {  	v13 =	vld [tilespmem:s25+$0x0];
	v0 =	vcvt.f32.s32 v0  }
0x1ca: {  	v14 =	vld [tilespmem:s26+$0x50]  }
0x1cb: {  	v15 =	vld [tilespmem:s26+$0x60]  }
0x1cc: {  	v16 =	vld [tilespmem:s26+$0xFFFFFF80]  }
0x1cd: {  	v55 =	vld [tilespmem:s25+$0xFFFFFF10];
	v1 =	vtrunc.f32 v1  }
0x1ce: {  	v56 =	vld [tilespmem:s25+$0xFFFFFF20];
	v2 =	vtrunc.f32 v2;
	v1 =	vcvt.f32.s32 v1  }
0x1cf: {  	v12 =	vld.idx.msk [tilespmem:v0+s4+$0x0], $0xffff;
	v0 =	vcvt.f32.s32 v2;
	v2 =	vtrunc.f32 v3  }
0x1d0: {  	v57 =	vld [tilespmem:s25+$0xFFFFFF30];
	v3 =	vtrunc.f32 v4;
	v2 =	vcvt.f32.s32 v2  }
0x1d1: {  	v20 =	vld [tilespmem:s25+$0xFFFFFF40];
	v5 =	vtrunc.f32 v5;
	v3 =	vcvt.f32.s32 v3  }
0x1d2: {  	v58 =	vld [tilespmem:s25+$0xFFFFFF50];
	v6 =	vtrunc.f32 v6;
	v8 =	vtrunc.f32 v8  }
0x1d3: {  	v5 =	vcvt.f32.s32 v5;
	v6 =	vcvt.f32.s32 v6;
	v4 =	vld [tilespmem:s26+$0x40]  }
0x1d4: {  	v17 =	vld.idx.msk [tilespmem:v1+s4+$0x0], $0xffff;
	v1 =	vcvt.f32.s32 v8;
	v8 =	vtrunc.f32 v9  }
0x1d5: {  	v9 =	vld.idx.msk [tilespmem:v0+s4+$0x0], $0xffff;
	v0 =	vcvt.f32.s32 v8;
	v8 =	vtrunc.f32 v10  }
0x1d6: {  	v10 =	vld.idx.msk [tilespmem:v2+s4+$0x0], $0xffff;
	v2 =	vcvt.f32.s32 v8;
	v8 =	vtrunc.f32 v11  }
0x1d7: {  	v11 =	vld.idx.msk [tilespmem:v3+s4+$0x0], $0xffff;
	v3 =	vcvt.f32.s32 v8;
	v8 =	vtrunc.f32 v16  }
0x1d8: {  	v59 =	vld [tilespmem:s25+$0xFFFFFF60];
	v7 =	vtrunc.f32 v7;
	v8 =	vcvt.f32.s32 v8  }
0x1d9: {  	v61 =	vld [tilespmem:s25+$0xFFFFFF70];
	v7 =	vcvt.f32.s32 v7  }
0x1da: {  	v62 =	vld [tilespmem:s25+$0xFFFFFF90]  }
0x1db: {  	v63 =	vld [tilespmem:s25+$0xFFFFFFA0];
	v4 =	vtrunc.f32 v4  }
0x1dc: {  	v5 =	vld.idx.msk [tilespmem:v5+s4+$0x0], $0xffff;
	v53 =	vcvt.f32.s32 v4;
	v4 =	vtrunc.f32 v14  }
0x1dd: {  	v6 =	vld.idx.msk [tilespmem:v6+s4+$0x0], $0xffff;
	v14 =	vcvt.f32.s32 v4  }
0x1de: {  	v8 =	vld.idx.msk [tilespmem:v8+s4+$0x0], $0xffff  }
0x1df: {  	v7 =	vld.idx.msk [tilespmem:v7+s4+$0x0], $0xffff  }
0x1e0: {  	v54 =	vld.idx.msk [tilespmem:v1+s4+$0x0], $0xffff;
	v4 =	vtrunc.f32 v15  }
0x1e1: {  	v18 =	vcvt.f32.s32 v4;
	v19 =	vld.idx.msk [tilespmem:v0+s4+$0x0], $0xffff  }
0x1e2: {  	v12 =	vadd.f32 v13, v12;
	v4 =	vld.idx.msk [tilespmem:v2+s4+$0x0], $0xffff  }
0x1e3: {  	v1 =	vld.idx.msk [tilespmem:v14+s4+$0x0], $0xffff;
	v8 =	vadd.f32 v55, v8  }
0x1e4: {  	v60 =	vadd.f32 v56, v17;
	[tilespmem:s25+$0x0] =	vst v12;
	v2 =	vld.idx.msk [tilespmem:v3+s4+$0x0], $0xffff  }
0x1e5: {  	[tilespmem:s25+$0xFFFFFF10] =	vst v8;
	v8 =	vadd.f32 v57, v9;
	v9 =	vld [tilespmem:s25+$0xFFFFFF80]  }
0x1e6: {  	[tilespmem:s25+$0xFFFFFF20] =	vst v60;
	v10 =	vadd.f32 v20, v10;
	v3 =	vld.idx.msk [tilespmem:v53+s4+$0x0], $0xffff  }
0x1e7: {  	v0 =	vld.idx.msk [tilespmem:v18+s4+$0x0], $0xffff;
	[tilespmem:s25+$0xFFFFFF30] =	vst v8;
	v8 =	vadd.f32 v58, v11  }
0x1e8: {  	[tilespmem:s25+$0xFFFFFF40] =	vst v10;
	v10 =	vadd.f32 v59, v5;
	v5 =	vld [tilespmem:s25+$0xFFFFFFB0]  }
0x1e9: {  	[tilespmem:s25+$0xFFFFFF50] =	vst v8;
	v8 =	vadd.f32 v61, v6;
	v6 =	vld [tilespmem:s25+$0xFFFFFFC0]  }
0x1ea: {  	[tilespmem:s25+$0xFFFFFF60] =	vst v10;
	v9 =	vadd.f32 v9, v7;
	v7 =	vld [tilespmem:s25+$0xFFFFFFD0]  }
0x1eb: {  	v11 =	vadd.f32 v62, v54;
	[tilespmem:s25+$0xFFFFFF70] =	vst v8;
	v8 =	vld [tilespmem:s25+$0xFFFFFFE0]  }
0x1ec: {  	s28 =	simm.s32 $0x1D880;
	s26 =	simm.s32 $0x0;
	v10 =	vadd.f32 v63, v19;
	[tilespmem:s25+$0xFFFFFF80] =	vst v9;
	v9 =	vld [tilespmem:s25+$0xFFFFFFF0]  }
.LBB2_13:
0x1ed: {  	v12 =	vld [tilespmem:s28+$0x70];
	s26 =	sadd.s32 $0x10, s26;
	[tilespmem:s25+$0xFFFFFF90] =	vst v11;
	v4 =	vadd.f32 v5, v4  }
0x1ee: {  	v5 =	vld [tilespmem:s28+$0xFFFFFF90];
	p1 =	slt.u32 s26, $0xF0;
	[tilespmem:s25+$0xFFFFFFA0] =	vst v10;
	v2 =	vadd.f32 v6, v2  }
0x1ef: {  	v6 =	vld [tilespmem:s28+$0xFFFFFFA0];
	[tilespmem:s25+$0xFFFFFFB0] =	vst v4;
	v3 =	vadd.f32 v7, v3  }
0x1f0: {  	v4 =	vld [tilespmem:s28+$0xFFFFFFB0];
	[tilespmem:s25+$0xFFFFFFC0] =	vst v2;
	v1 =	vadd.f32 v8, v1  }
0x1f1: {  	v2 =	vld [tilespmem:s28+$0xFFFFFFC0];
	[tilespmem:s25+$0xFFFFFFD0] =	vst v3;
	v0 =	vadd.f32 v9, v0  }
0x1f2: {  	v3 =	vld [tilespmem:s28+$0xFFFFFFD0];
	v7 =	vtrunc.f32 v12;
	[tilespmem:s25+$0xFFFFFFE0] =	vst v1  }
0x1f3: {  	v1 =	vtrunc.f32 v5;
	v5 =	vld [tilespmem:s28+$0xFFFFFFE0];
	v7 =	vcvt.f32.s32 v7;
	[tilespmem:s25+$0xFFFFFFF0] =	vst v0  }
0x1f4: {  	v0 =	vcvt.f32.s32 v1;
	v1 =	vtrunc.f32 v6;
	v6 =	vld [tilespmem:s28+$0xFFFFFFF0]  }
0x1f5: {  	v1 =	vcvt.f32.s32 v1;
	v4 =	vtrunc.f32 v4;
	v8 =	vld [tilespmem:s28+$0x0]  }
0x1f6: {  	v4 =	vcvt.f32.s32 v4;
	v2 =	vtrunc.f32 v2;
	v9 =	vld [tilespmem:s28+$0x10]  }
0x1f7: {  	v2 =	vcvt.f32.s32 v2;
	v3 =	vtrunc.f32 v3;
	v10 =	vld [tilespmem:s28+$0x20]  }
0x1f8: {  	v3 =	vcvt.f32.s32 v3;
	v5 =	vtrunc.f32 v5;
	v11 =	vld [tilespmem:s28+$0x30]  }
0x1f9: {  	s25 =	sadd.s32 $0x100, s25;
	v5 =	vcvt.f32.s32 v5;
	v6 =	vtrunc.f32 v6;
	v7 =	vld.idx.msk [tilespmem:v7+s4+$0x0], $0xffff  }
0x1fa: {  	v6 =	vcvt.f32.s32 v6;
	v8 =	vtrunc.f32 v8;
	v12 =	vld [tilespmem:s25+$0x0]  }
0x1fb: {  	v8 =	vcvt.f32.s32 v8;
	v9 =	vtrunc.f32 v9;
	v13 =	vld [tilespmem:s28+$0x40]  }
0x1fc: {  	v9 =	vcvt.f32.s32 v9;
	v10 =	vtrunc.f32 v10;
	v14 =	vld [tilespmem:s28+$0x50]  }
0x1fd: {  	v10 =	vcvt.f32.s32 v10;
	v11 =	vtrunc.f32 v11;
	v15 =	vld [tilespmem:s28+$0x60]  }
0x1fe: {  	v16 =	vld [tilespmem:s28+$0xFFFFFF80];
	v11 =	vcvt.f32.s32 v11  }
0x1ff: {  	v17 =	vld.idx.msk [tilespmem:v0+s4+$0x0], $0xffff;
	v0 =	vadd.f32 v12, v7  }
0x200: {  	v7 =	vld.idx.msk [tilespmem:v1+s4+$0x0], $0xffff;
	v1 =	vtrunc.f32 v13  }
0x201: {  	v12 =	vld.idx.msk [tilespmem:v4+s4+$0x0], $0xffff;
	v1 =	vcvt.f32.s32 v1;
	v4 =	vtrunc.f32 v14;
	[tilespmem:s25+$0x0] =	vst v0  }
0x202: {  	v13 =	vld.idx.msk [tilespmem:v2+s4+$0x0], $0xffff;
	v0 =	vcvt.f32.s32 v4;
	v2 =	vtrunc.f32 v15  }
0x203: {  	v4 =	vtrunc.f32 v16;
	v14 =	vld.idx.msk [tilespmem:v3+s4+$0x0], $0xffff;
	v15 =	vcvt.f32.s32 v2  }
0x204: {  	v3 =	vcvt.f32.s32 v4;
	v16 =	vld.idx.msk [tilespmem:v5+s4+$0x0], $0xffff  }
0x205: {  	v18 =	vld.idx.msk [tilespmem:v6+s4+$0x0], $0xffff  }
0x206: {  	v8 =	vld.idx.msk [tilespmem:v8+s4+$0x0], $0xffff  }
0x207: {  	v9 =	vld.idx.msk [tilespmem:v9+s4+$0x0], $0xffff  }
0x208: {  	v4 =	vld.idx.msk [tilespmem:v10+s4+$0x0], $0xffff  }
0x209: {  	v2 =	vld.idx.msk [tilespmem:v11+s4+$0x0], $0xffff  }
0x20a: {  	v5 =	vld.idx.msk [tilespmem:v3+s4+$0x0], $0xffff  }
0x20b: {  	v3 =	vld.idx.msk [tilespmem:v1+s4+$0x0], $0xffff  }
0x20c: {  	v1 =	vld.idx.msk [tilespmem:v0+s4+$0x0], $0xffff  }
0x20d: {  	v0 =	vld.idx.msk [tilespmem:v15+s4+$0x0], $0xffff  }
0x20e: {  	v6 =	vld [tilespmem:s25+$0xFFFFFF10]  }
0x20f: {  	v10 =	vld [tilespmem:s25+$0xFFFFFF20]  }
0x210: {  	v11 =	vld [tilespmem:s25+$0xFFFFFF30]  }
0x211: {  	v15 =	vld [tilespmem:s25+$0xFFFFFF40]  }
0x212: {  	v19 =	vld [tilespmem:s25+$0xFFFFFF50]  }
0x213: {  	v5 =	vadd.f32 v6, v5;
	v6 =	vld [tilespmem:s25+$0xFFFFFF60]  }
0x214: {  	v10 =	vadd.f32 v10, v17;
	v17 =	vld [tilespmem:s25+$0xFFFFFF70]  }
0x215: {  	[tilespmem:s25+$0xFFFFFF10] =	vst v5;
	v5 =	vadd.f32 v11, v7;
	v7 =	vld [tilespmem:s25+$0xFFFFFF80]  }
0x216: {  	[tilespmem:s25+$0xFFFFFF20] =	vst v10;
	v10 =	vadd.f32 v15, v12;
	v11 =	vld [tilespmem:s25+$0xFFFFFF90]  }
0x217: {  	[tilespmem:s25+$0xFFFFFF30] =	vst v5;
	v12 =	vadd.f32 v19, v13;
	v13 =	vld [tilespmem:s25+$0xFFFFFFA0]  }
.Ltmp5:
0x218: {  	[tilespmem:s25+$0xFFFFFF40] =	vst v10;
	v10 =	vadd.f32 v6, v14;
	v5 =	vld [tilespmem:s25+$0xFFFFFFB0];
	(pc) =	sbr.rel @p1 .LBB2_13-.Ltmp5, $4  }
0x219: {  	[tilespmem:s25+$0xFFFFFF50] =	vst v12;
	v12 =	vadd.f32 v17, v16;
	v6 =	vld [tilespmem:s25+$0xFFFFFFC0]  }
0x21a: {  	[tilespmem:s25+$0xFFFFFF60] =	vst v10;
	v10 =	vadd.f32 v7, v18;
	v7 =	vld [tilespmem:s25+$0xFFFFFFD0]  }
0x21b: {  	[tilespmem:s25+$0xFFFFFF70] =	vst v12;
	v11 =	vadd.f32 v11, v8;
	v8 =	vld [tilespmem:s25+$0xFFFFFFE0]  }
0x21c: {  	s28 =	sadd.s32 $0x100, s28;
	[tilespmem:s25+$0xFFFFFF80] =	vst v10;
	v10 =	vadd.f32 v13, v9;
	v9 =	vld [tilespmem:s25+$0xFFFFFFF0]  }
0x21d: {  	[tilespmem:s25+$0xFFFFFF90] =	vst v11;
	v4 =	vadd.f32 v5, v4  }
0x21e: {  	[tilespmem:s25+$0xFFFFFFA0] =	vst v10;
	v2 =	vadd.f32 v6, v2  }
0x21f: {  	[tilespmem:s25+$0xFFFFFFB0] =	vst v4;
	v3 =	vadd.f32 v7, v3  }
0x220: {  	[tilespmem:s25+$0xFFFFFFC0] =	vst v2;
	v1 =	vadd.f32 v8, v1  }
0x221: {  	[tilespmem:s25+$0xFFFFFFD0] =	vst v3;
	v0 =	vadd.f32 v9, v0  }
0x222: {  	[tilespmem:s25+$0xFFFFFFE0] =	vst v1  }
0x223: {  	[tilespmem:s25+$0xFFFFFFF0] =	vst v0  }
0x224: {  	_ =	swait.ge [sflag:s18], $0x1000  }
0x225: {  	[sflag:s18] =	ssyncset.done $0x0  }
0x226: {  	s24 =	sadd.s32 s24, s9;
	s31 =	simm.s32 $0x1C780;
	[sflag:s18] =	ssyncadd.s32 $0xFFFFF000  }
0x227: {  	[tilespmem:s19], [sflag:$0x2] =	stream.strided.gather [hbm4b:s24+s14], $0x1000, s15, s14, $0x38;
	[tilespmem:$0x1E700] =	vst v63  }
0x228: {  	v0 =	vld [tilespmem:s31+$0x70]  }
0x229: {  	v1 =	vld [tilespmem:s31+$0xFFFFFF90]  }
0x22a: {  	v2 =	vld [tilespmem:s31+$0xFFFFFFA0]  }
0x22b: {  	v3 =	vld [tilespmem:s31+$0xFFFFFFB0]  }
0x22c: {  	v4 =	vld [tilespmem:s31+$0xFFFFFFC0]  }
0x22d: {  	v5 =	vld [tilespmem:s31+$0xFFFFFFD0]  }
0x22e: {  	v6 =	vld [tilespmem:s31+$0xFFFFFFE0]  }
0x22f: {  	v7 =	vld [tilespmem:s31+$0xFFFFFFF0]  }
0x230: {  	v8 =	vld [tilespmem:s31+$0x0]  }
0x231: {  	v9 =	vld [tilespmem:s31+$0x10]  }
0x232: {  	v10 =	vld [tilespmem:s31+$0x20]  }
0x233: {  	s24 =	simm.s32 $0x1A7F0;
	v11 =	vld [tilespmem:s31+$0x30];
	v0 =	vtrunc.f32 v0  }
0x234: {  	v13 =	vld [tilespmem:s24+$0x0];
	v0 =	vcvt.f32.s32 v0  }
0x235: {  	v14 =	vld [tilespmem:s31+$0x50]  }
0x236: {  	v15 =	vld [tilespmem:s31+$0x60]  }
0x237: {  	v16 =	vld [tilespmem:s31+$0xFFFFFF80]  }
0x238: {  	v55 =	vld [tilespmem:s24+$0xFFFFFF10];
	v1 =	vtrunc.f32 v1  }
0x239: {  	v56 =	vld [tilespmem:s24+$0xFFFFFF20];
	v2 =	vtrunc.f32 v2;
	v1 =	vcvt.f32.s32 v1  }
0x23a: {  	v12 =	vld.idx.msk [tilespmem:v0+s4+$0x0], $0xffff;
	v0 =	vcvt.f32.s32 v2;
	v2 =	vtrunc.f32 v3  }
0x23b: {  	v57 =	vld [tilespmem:s24+$0xFFFFFF30];
	v3 =	vtrunc.f32 v4;
	v2 =	vcvt.f32.s32 v2  }
0x23c: {  	v20 =	vld [tilespmem:s24+$0xFFFFFF40];
	v5 =	vtrunc.f32 v5;
	v3 =	vcvt.f32.s32 v3  }
0x23d: {  	v58 =	vld [tilespmem:s24+$0xFFFFFF50];
	v6 =	vtrunc.f32 v6;
	v8 =	vtrunc.f32 v8  }
0x23e: {  	v5 =	vcvt.f32.s32 v5;
	v6 =	vcvt.f32.s32 v6;
	v4 =	vld [tilespmem:s31+$0x40]  }
0x23f: {  	v17 =	vld.idx.msk [tilespmem:v1+s4+$0x0], $0xffff;
	v1 =	vcvt.f32.s32 v8;
	v8 =	vtrunc.f32 v9  }
0x240: {  	v9 =	vld.idx.msk [tilespmem:v0+s4+$0x0], $0xffff;
	v0 =	vcvt.f32.s32 v8;
	v8 =	vtrunc.f32 v10  }
0x241: {  	v10 =	vld.idx.msk [tilespmem:v2+s4+$0x0], $0xffff;
	v2 =	vcvt.f32.s32 v8;
	v8 =	vtrunc.f32 v11  }
0x242: {  	v11 =	vld.idx.msk [tilespmem:v3+s4+$0x0], $0xffff;
	v3 =	vcvt.f32.s32 v8;
	v8 =	vtrunc.f32 v16  }
0x243: {  	v59 =	vld [tilespmem:s24+$0xFFFFFF60];
	v7 =	vtrunc.f32 v7;
	v8 =	vcvt.f32.s32 v8  }
0x244: {  	v61 =	vld [tilespmem:s24+$0xFFFFFF70];
	v7 =	vcvt.f32.s32 v7  }
0x245: {  	v62 =	vld [tilespmem:s24+$0xFFFFFF90]  }
0x246: {  	v63 =	vld [tilespmem:s24+$0xFFFFFFA0];
	v4 =	vtrunc.f32 v4  }
0x247: {  	v5 =	vld.idx.msk [tilespmem:v5+s4+$0x0], $0xffff;
	v53 =	vcvt.f32.s32 v4;
	v4 =	vtrunc.f32 v14  }
0x248: {  	v6 =	vld.idx.msk [tilespmem:v6+s4+$0x0], $0xffff;
	v14 =	vcvt.f32.s32 v4  }
0x249: {  	v8 =	vld.idx.msk [tilespmem:v8+s4+$0x0], $0xffff  }
0x24a: {  	v7 =	vld.idx.msk [tilespmem:v7+s4+$0x0], $0xffff  }
0x24b: {  	v54 =	vld.idx.msk [tilespmem:v1+s4+$0x0], $0xffff;
	v4 =	vtrunc.f32 v15  }
0x24c: {  	v18 =	vcvt.f32.s32 v4;
	v19 =	vld.idx.msk [tilespmem:v0+s4+$0x0], $0xffff  }
0x24d: {  	v12 =	vadd.f32 v13, v12;
	v4 =	vld.idx.msk [tilespmem:v2+s4+$0x0], $0xffff  }
0x24e: {  	v1 =	vld.idx.msk [tilespmem:v14+s4+$0x0], $0xffff;
	v8 =	vadd.f32 v55, v8  }
0x24f: {  	v60 =	vadd.f32 v56, v17;
	[tilespmem:s24+$0x0] =	vst v12;
	v2 =	vld.idx.msk [tilespmem:v3+s4+$0x0], $0xffff  }
0x250: {  	[tilespmem:s24+$0xFFFFFF10] =	vst v8;
	v8 =	vadd.f32 v57, v9;
	v9 =	vld [tilespmem:s24+$0xFFFFFF80]  }
0x251: {  	[tilespmem:s24+$0xFFFFFF20] =	vst v60;
	v10 =	vadd.f32 v20, v10;
	v3 =	vld.idx.msk [tilespmem:v53+s4+$0x0], $0xffff  }
0x252: {  	v0 =	vld.idx.msk [tilespmem:v18+s4+$0x0], $0xffff;
	[tilespmem:s24+$0xFFFFFF30] =	vst v8;
	v8 =	vadd.f32 v58, v11  }
0x253: {  	[tilespmem:s24+$0xFFFFFF40] =	vst v10;
	v10 =	vadd.f32 v59, v5;
	v5 =	vld [tilespmem:s24+$0xFFFFFFB0]  }
0x254: {  	[tilespmem:s24+$0xFFFFFF50] =	vst v8;
	v8 =	vadd.f32 v61, v6;
	v6 =	vld [tilespmem:s24+$0xFFFFFFC0]  }
0x255: {  	[tilespmem:s24+$0xFFFFFF60] =	vst v10;
	v9 =	vadd.f32 v9, v7;
	v7 =	vld [tilespmem:s24+$0xFFFFFFD0]  }
0x256: {  	v11 =	vadd.f32 v62, v54;
	[tilespmem:s24+$0xFFFFFF70] =	vst v8;
	v8 =	vld [tilespmem:s24+$0xFFFFFFE0]  }
0x257: {  	s26 =	simm.s32 $0x1C880;
	s25 =	simm.s32 $0x0;
	v10 =	vadd.f32 v63, v19;
	[tilespmem:s24+$0xFFFFFF80] =	vst v9;
	v9 =	vld [tilespmem:s24+$0xFFFFFFF0]  }
.LBB2_15:
0x258: {  	v12 =	vld [tilespmem:s26+$0x70];
	s25 =	sadd.s32 $0x10, s25;
	[tilespmem:s24+$0xFFFFFF90] =	vst v11;
	v4 =	vadd.f32 v5, v4  }
0x259: {  	v5 =	vld [tilespmem:s26+$0xFFFFFF90];
	p1 =	slt.u32 s25, $0xF0;
	[tilespmem:s24+$0xFFFFFFA0] =	vst v10;
	v2 =	vadd.f32 v6, v2  }
0x25a: {  	v6 =	vld [tilespmem:s26+$0xFFFFFFA0];
	[tilespmem:s24+$0xFFFFFFB0] =	vst v4;
	v3 =	vadd.f32 v7, v3  }
0x25b: {  	v4 =	vld [tilespmem:s26+$0xFFFFFFB0];
	[tilespmem:s24+$0xFFFFFFC0] =	vst v2;
	v1 =	vadd.f32 v8, v1  }
0x25c: {  	v2 =	vld [tilespmem:s26+$0xFFFFFFC0];
	[tilespmem:s24+$0xFFFFFFD0] =	vst v3;
	v0 =	vadd.f32 v9, v0  }
0x25d: {  	v3 =	vld [tilespmem:s26+$0xFFFFFFD0];
	v7 =	vtrunc.f32 v12;
	[tilespmem:s24+$0xFFFFFFE0] =	vst v1  }
0x25e: {  	v1 =	vtrunc.f32 v5;
	v5 =	vld [tilespmem:s26+$0xFFFFFFE0];
	v7 =	vcvt.f32.s32 v7;
	[tilespmem:s24+$0xFFFFFFF0] =	vst v0  }
0x25f: {  	v0 =	vcvt.f32.s32 v1;
	v1 =	vtrunc.f32 v6;
	v6 =	vld [tilespmem:s26+$0xFFFFFFF0]  }
0x260: {  	v1 =	vcvt.f32.s32 v1;
	v4 =	vtrunc.f32 v4;
	v8 =	vld [tilespmem:s26+$0x0]  }
0x261: {  	v4 =	vcvt.f32.s32 v4;
	v2 =	vtrunc.f32 v2;
	v9 =	vld [tilespmem:s26+$0x10]  }
0x262: {  	v2 =	vcvt.f32.s32 v2;
	v3 =	vtrunc.f32 v3;
	v10 =	vld [tilespmem:s26+$0x20]  }
0x263: {  	v3 =	vcvt.f32.s32 v3;
	v5 =	vtrunc.f32 v5;
	v11 =	vld [tilespmem:s26+$0x30]  }
0x264: {  	s24 =	sadd.s32 $0x100, s24;
	v5 =	vcvt.f32.s32 v5;
	v6 =	vtrunc.f32 v6;
	v7 =	vld.idx.msk [tilespmem:v7+s4+$0x0], $0xffff  }
0x265: {  	v6 =	vcvt.f32.s32 v6;
	v8 =	vtrunc.f32 v8;
	v12 =	vld [tilespmem:s24+$0x0]  }
0x266: {  	v8 =	vcvt.f32.s32 v8;
	v9 =	vtrunc.f32 v9;
	v13 =	vld [tilespmem:s26+$0x40]  }
0x267: {  	v9 =	vcvt.f32.s32 v9;
	v10 =	vtrunc.f32 v10;
	v14 =	vld [tilespmem:s26+$0x50]  }
0x268: {  	v10 =	vcvt.f32.s32 v10;
	v11 =	vtrunc.f32 v11;
	v15 =	vld [tilespmem:s26+$0x60]  }
0x269: {  	v16 =	vld [tilespmem:s26+$0xFFFFFF80];
	v11 =	vcvt.f32.s32 v11  }
0x26a: {  	v17 =	vld.idx.msk [tilespmem:v0+s4+$0x0], $0xffff;
	v0 =	vadd.f32 v12, v7  }
0x26b: {  	v7 =	vld.idx.msk [tilespmem:v1+s4+$0x0], $0xffff;
	v1 =	vtrunc.f32 v13  }
0x26c: {  	v12 =	vld.idx.msk [tilespmem:v4+s4+$0x0], $0xffff;
	v1 =	vcvt.f32.s32 v1;
	v4 =	vtrunc.f32 v14;
	[tilespmem:s24+$0x0] =	vst v0  }
0x26d: {  	v13 =	vld.idx.msk [tilespmem:v2+s4+$0x0], $0xffff;
	v0 =	vcvt.f32.s32 v4;
	v2 =	vtrunc.f32 v15  }
0x26e: {  	v4 =	vtrunc.f32 v16;
	v14 =	vld.idx.msk [tilespmem:v3+s4+$0x0], $0xffff;
	v15 =	vcvt.f32.s32 v2  }
0x26f: {  	v3 =	vcvt.f32.s32 v4;
	v16 =	vld.idx.msk [tilespmem:v5+s4+$0x0], $0xffff  }
0x270: {  	v18 =	vld.idx.msk [tilespmem:v6+s4+$0x0], $0xffff  }
0x271: {  	v8 =	vld.idx.msk [tilespmem:v8+s4+$0x0], $0xffff  }
0x272: {  	v9 =	vld.idx.msk [tilespmem:v9+s4+$0x0], $0xffff  }
0x273: {  	v4 =	vld.idx.msk [tilespmem:v10+s4+$0x0], $0xffff  }
0x274: {  	v2 =	vld.idx.msk [tilespmem:v11+s4+$0x0], $0xffff  }
0x275: {  	v5 =	vld.idx.msk [tilespmem:v3+s4+$0x0], $0xffff  }
0x276: {  	v3 =	vld.idx.msk [tilespmem:v1+s4+$0x0], $0xffff  }
0x277: {  	v1 =	vld.idx.msk [tilespmem:v0+s4+$0x0], $0xffff  }
0x278: {  	v0 =	vld.idx.msk [tilespmem:v15+s4+$0x0], $0xffff  }
0x279: {  	v6 =	vld [tilespmem:s24+$0xFFFFFF10]  }
0x27a: {  	v10 =	vld [tilespmem:s24+$0xFFFFFF20]  }
0x27b: {  	v11 =	vld [tilespmem:s24+$0xFFFFFF30]  }
0x27c: {  	v15 =	vld [tilespmem:s24+$0xFFFFFF40]  }
0x27d: {  	v19 =	vld [tilespmem:s24+$0xFFFFFF50]  }
0x27e: {  	v5 =	vadd.f32 v6, v5;
	v6 =	vld [tilespmem:s24+$0xFFFFFF60]  }
0x27f: {  	v10 =	vadd.f32 v10, v17;
	v17 =	vld [tilespmem:s24+$0xFFFFFF70]  }
0x280: {  	[tilespmem:s24+$0xFFFFFF10] =	vst v5;
	v5 =	vadd.f32 v11, v7;
	v7 =	vld [tilespmem:s24+$0xFFFFFF80]  }
0x281: {  	[tilespmem:s24+$0xFFFFFF20] =	vst v10;
	v10 =	vadd.f32 v15, v12;
	v11 =	vld [tilespmem:s24+$0xFFFFFF90]  }
0x282: {  	[tilespmem:s24+$0xFFFFFF30] =	vst v5;
	v12 =	vadd.f32 v19, v13;
	v13 =	vld [tilespmem:s24+$0xFFFFFFA0]  }
.Ltmp6:
0x283: {  	[tilespmem:s24+$0xFFFFFF40] =	vst v10;
	v10 =	vadd.f32 v6, v14;
	v5 =	vld [tilespmem:s24+$0xFFFFFFB0];
	(pc) =	sbr.rel @p1 .LBB2_15-.Ltmp6, $4  }
0x284: {  	[tilespmem:s24+$0xFFFFFF50] =	vst v12;
	v12 =	vadd.f32 v17, v16;
	v6 =	vld [tilespmem:s24+$0xFFFFFFC0]  }
0x285: {  	[tilespmem:s24+$0xFFFFFF60] =	vst v10;
	v10 =	vadd.f32 v7, v18;
	v7 =	vld [tilespmem:s24+$0xFFFFFFD0]  }
0x286: {  	[tilespmem:s24+$0xFFFFFF70] =	vst v12;
	v11 =	vadd.f32 v11, v8;
	v8 =	vld [tilespmem:s24+$0xFFFFFFE0]  }
0x287: {  	s26 =	sadd.s32 $0x100, s26;
	[tilespmem:s24+$0xFFFFFF80] =	vst v10;
	v10 =	vadd.f32 v13, v9;
	v9 =	vld [tilespmem:s24+$0xFFFFFFF0]  }
0x288: {  	[tilespmem:s24+$0xFFFFFF90] =	vst v11;
	v4 =	vadd.f32 v5, v4  }
0x289: {  	[tilespmem:s24+$0xFFFFFFA0] =	vst v10;
	v2 =	vadd.f32 v6, v2  }
0x28a: {  	[tilespmem:s24+$0xFFFFFFB0] =	vst v4;
	v3 =	vadd.f32 v7, v3  }
0x28b: {  	[tilespmem:s24+$0xFFFFFFC0] =	vst v2;
	v1 =	vadd.f32 v8, v1  }
0x28c: {  	[tilespmem:s24+$0xFFFFFFD0] =	vst v3;
	v0 =	vadd.f32 v9, v0  }
0x28d: {  	[tilespmem:s24+$0xFFFFFFE0] =	vst v1  }
0x28e: {  	[tilespmem:s24+$0xFFFFFFF0] =	vst v0  }
0x28f: {  	_ =	swait.ge [sflag:s18], $0x1000  }
0x290: {  	[sflag:s18] =	ssyncset.done $0x0  }
0x291: {  	s25 =	simm.s32 $0x1D780;
	[sflag:s18] =	ssyncadd.s32 $0xFFFFF000  }
0x292: {  	v0 =	vld [tilespmem:s25+$0x70]  }
0x293: {  	v1 =	vld [tilespmem:s25+$0xFFFFFF90]  }
0x294: {  	v2 =	vld [tilespmem:s25+$0xFFFFFFA0]  }
0x295: {  	v3 =	vld [tilespmem:s25+$0xFFFFFFB0]  }
0x296: {  	v4 =	vld [tilespmem:s25+$0xFFFFFFC0]  }
0x297: {  	v5 =	vld [tilespmem:s25+$0xFFFFFFD0]  }
0x298: {  	v6 =	vld [tilespmem:s25+$0xFFFFFFE0]  }
0x299: {  	v7 =	vld [tilespmem:s25+$0xFFFFFFF0]  }
0x29a: {  	v8 =	vld [tilespmem:s25+$0x0]  }
0x29b: {  	v9 =	vld [tilespmem:s25+$0x10]  }
0x29c: {  	v10 =	vld [tilespmem:s25+$0x20]  }
0x29d: {  	s24 =	simm.s32 $0x1B7F0;
	v11 =	vld [tilespmem:s25+$0x30];
	v0 =	vtrunc.f32 v0  }
0x29e: {  	v13 =	vld [tilespmem:s24+$0x0];
	v0 =	vcvt.f32.s32 v0  }
0x29f: {  	v14 =	vld [tilespmem:s25+$0x50]  }
0x2a0: {  	v15 =	vld [tilespmem:s25+$0x60]  }
0x2a1: {  	v16 =	vld [tilespmem:s25+$0xFFFFFF80]  }
0x2a2: {  	v55 =	vld [tilespmem:s24+$0xFFFFFF10];
	v1 =	vtrunc.f32 v1  }
0x2a3: {  	v56 =	vld [tilespmem:s24+$0xFFFFFF20];
	v2 =	vtrunc.f32 v2;
	v1 =	vcvt.f32.s32 v1  }
0x2a4: {  	v12 =	vld.idx.msk [tilespmem:v0+s4+$0x0], $0xffff;
	v0 =	vcvt.f32.s32 v2;
	v2 =	vtrunc.f32 v3  }
0x2a5: {  	v57 =	vld [tilespmem:s24+$0xFFFFFF30];
	v3 =	vtrunc.f32 v4;
	v2 =	vcvt.f32.s32 v2  }
0x2a6: {  	v20 =	vld [tilespmem:s24+$0xFFFFFF40];
	v5 =	vtrunc.f32 v5;
	v3 =	vcvt.f32.s32 v3  }
0x2a7: {  	v58 =	vld [tilespmem:s24+$0xFFFFFF50];
	v6 =	vtrunc.f32 v6;
	v8 =	vtrunc.f32 v8  }
0x2a8: {  	v5 =	vcvt.f32.s32 v5;
	v6 =	vcvt.f32.s32 v6;
	v4 =	vld [tilespmem:s25+$0x40]  }
0x2a9: {  	v17 =	vld.idx.msk [tilespmem:v1+s4+$0x0], $0xffff;
	v1 =	vcvt.f32.s32 v8;
	v8 =	vtrunc.f32 v9  }
0x2aa: {  	v9 =	vld.idx.msk [tilespmem:v0+s4+$0x0], $0xffff;
	v0 =	vcvt.f32.s32 v8;
	v8 =	vtrunc.f32 v10  }
0x2ab: {  	v10 =	vld.idx.msk [tilespmem:v2+s4+$0x0], $0xffff;
	v2 =	vcvt.f32.s32 v8;
	v8 =	vtrunc.f32 v11  }
0x2ac: {  	v11 =	vld.idx.msk [tilespmem:v3+s4+$0x0], $0xffff;
	v3 =	vcvt.f32.s32 v8;
	v8 =	vtrunc.f32 v16  }
0x2ad: {  	v59 =	vld [tilespmem:s24+$0xFFFFFF60];
	v7 =	vtrunc.f32 v7;
	v8 =	vcvt.f32.s32 v8  }
0x2ae: {  	v61 =	vld [tilespmem:s24+$0xFFFFFF70];
	v7 =	vcvt.f32.s32 v7  }
0x2af: {  	v62 =	vld [tilespmem:s24+$0xFFFFFF90]  }
0x2b0: {  	v63 =	vld [tilespmem:s24+$0xFFFFFFA0];
	v4 =	vtrunc.f32 v4  }
0x2b1: {  	v5 =	vld.idx.msk [tilespmem:v5+s4+$0x0], $0xffff;
	v53 =	vcvt.f32.s32 v4;
	v4 =	vtrunc.f32 v14  }
0x2b2: {  	v6 =	vld.idx.msk [tilespmem:v6+s4+$0x0], $0xffff;
	v14 =	vcvt.f32.s32 v4  }
0x2b3: {  	v8 =	vld.idx.msk [tilespmem:v8+s4+$0x0], $0xffff  }
0x2b4: {  	v7 =	vld.idx.msk [tilespmem:v7+s4+$0x0], $0xffff  }
0x2b5: {  	v54 =	vld.idx.msk [tilespmem:v1+s4+$0x0], $0xffff;
	v4 =	vtrunc.f32 v15  }
0x2b6: {  	v18 =	vcvt.f32.s32 v4;
	v19 =	vld.idx.msk [tilespmem:v0+s4+$0x0], $0xffff  }
0x2b7: {  	v12 =	vadd.f32 v13, v12;
	v4 =	vld.idx.msk [tilespmem:v2+s4+$0x0], $0xffff  }
0x2b8: {  	v1 =	vld.idx.msk [tilespmem:v14+s4+$0x0], $0xffff;
	v8 =	vadd.f32 v55, v8  }
0x2b9: {  	v60 =	vadd.f32 v56, v17;
	[tilespmem:s24+$0x0] =	vst v12;
	v2 =	vld.idx.msk [tilespmem:v3+s4+$0x0], $0xffff  }
0x2ba: {  	[tilespmem:s24+$0xFFFFFF10] =	vst v8;
	v8 =	vadd.f32 v57, v9;
	v9 =	vld [tilespmem:s24+$0xFFFFFF80]  }
0x2bb: {  	[tilespmem:s24+$0xFFFFFF20] =	vst v60;
	v10 =	vadd.f32 v20, v10;
	v3 =	vld.idx.msk [tilespmem:v53+s4+$0x0], $0xffff  }
0x2bc: {  	v0 =	vld.idx.msk [tilespmem:v18+s4+$0x0], $0xffff;
	[tilespmem:s24+$0xFFFFFF30] =	vst v8;
	v8 =	vadd.f32 v58, v11  }
0x2bd: {  	[tilespmem:s24+$0xFFFFFF40] =	vst v10;
	v10 =	vadd.f32 v59, v5;
	v5 =	vld [tilespmem:s24+$0xFFFFFFB0]  }
0x2be: {  	[tilespmem:s24+$0xFFFFFF50] =	vst v8;
	v8 =	vadd.f32 v61, v6;
	v6 =	vld [tilespmem:s24+$0xFFFFFFC0]  }
0x2bf: {  	[tilespmem:s24+$0xFFFFFF60] =	vst v10;
	v9 =	vadd.f32 v9, v7;
	v7 =	vld [tilespmem:s24+$0xFFFFFFD0]  }
0x2c0: {  	v11 =	vadd.f32 v62, v54;
	[tilespmem:s24+$0xFFFFFF70] =	vst v8;
	v8 =	vld [tilespmem:s24+$0xFFFFFFE0]  }
0x2c1: {  	s26 =	simm.s32 $0x1D880;
	s25 =	simm.s32 $0x0;
	v10 =	vadd.f32 v63, v19;
	[tilespmem:s24+$0xFFFFFF80] =	vst v9;
	v9 =	vld [tilespmem:s24+$0xFFFFFFF0]  }
.LBB2_17:
0x2c2: {  	v12 =	vld [tilespmem:s26+$0x70];
	s25 =	sadd.s32 $0x10, s25;
	[tilespmem:s24+$0xFFFFFF90] =	vst v11;
	v4 =	vadd.f32 v5, v4  }
0x2c3: {  	v5 =	vld [tilespmem:s26+$0xFFFFFF90];
	p1 =	slt.u32 s25, $0xF0;
	[tilespmem:s24+$0xFFFFFFA0] =	vst v10;
	v2 =	vadd.f32 v6, v2  }
0x2c4: {  	v6 =	vld [tilespmem:s26+$0xFFFFFFA0];
	[tilespmem:s24+$0xFFFFFFB0] =	vst v4;
	v3 =	vadd.f32 v7, v3  }
0x2c5: {  	v4 =	vld [tilespmem:s26+$0xFFFFFFB0];
	[tilespmem:s24+$0xFFFFFFC0] =	vst v2;
	v1 =	vadd.f32 v8, v1  }
0x2c6: {  	v2 =	vld [tilespmem:s26+$0xFFFFFFC0];
	[tilespmem:s24+$0xFFFFFFD0] =	vst v3;
	v0 =	vadd.f32 v9, v0  }
0x2c7: {  	v3 =	vld [tilespmem:s26+$0xFFFFFFD0];
	v7 =	vtrunc.f32 v12;
	[tilespmem:s24+$0xFFFFFFE0] =	vst v1  }
0x2c8: {  	v1 =	vtrunc.f32 v5;
	v5 =	vld [tilespmem:s26+$0xFFFFFFE0];
	v7 =	vcvt.f32.s32 v7;
	[tilespmem:s24+$0xFFFFFFF0] =	vst v0  }
0x2c9: {  	v0 =	vcvt.f32.s32 v1;
	v1 =	vtrunc.f32 v6;
	v6 =	vld [tilespmem:s26+$0xFFFFFFF0]  }
0x2ca: {  	v1 =	vcvt.f32.s32 v1;
	v4 =	vtrunc.f32 v4;
	v8 =	vld [tilespmem:s26+$0x0]  }
0x2cb: {  	v4 =	vcvt.f32.s32 v4;
	v2 =	vtrunc.f32 v2;
	v9 =	vld [tilespmem:s26+$0x10]  }
0x2cc: {  	v2 =	vcvt.f32.s32 v2;
	v3 =	vtrunc.f32 v3;
	v10 =	vld [tilespmem:s26+$0x20]  }
0x2cd: {  	v3 =	vcvt.f32.s32 v3;
	v5 =	vtrunc.f32 v5;
	v11 =	vld [tilespmem:s26+$0x30]  }
0x2ce: {  	s24 =	sadd.s32 $0x100, s24;
	v5 =	vcvt.f32.s32 v5;
	v6 =	vtrunc.f32 v6;
	v7 =	vld.idx.msk [tilespmem:v7+s4+$0x0], $0xffff  }
0x2cf: {  	v6 =	vcvt.f32.s32 v6;
	v8 =	vtrunc.f32 v8;
	v12 =	vld [tilespmem:s24+$0x0]  }
0x2d0: {  	v8 =	vcvt.f32.s32 v8;
	v9 =	vtrunc.f32 v9;
	v13 =	vld [tilespmem:s26+$0x40]  }
0x2d1: {  	v9 =	vcvt.f32.s32 v9;
	v10 =	vtrunc.f32 v10;
	v14 =	vld [tilespmem:s26+$0x50]  }
0x2d2: {  	v10 =	vcvt.f32.s32 v10;
	v11 =	vtrunc.f32 v11;
	v15 =	vld [tilespmem:s26+$0x60]  }
0x2d3: {  	v16 =	vld [tilespmem:s26+$0xFFFFFF80];
	v11 =	vcvt.f32.s32 v11  }
0x2d4: {  	v17 =	vld.idx.msk [tilespmem:v0+s4+$0x0], $0xffff;
	v0 =	vadd.f32 v12, v7  }
0x2d5: {  	v7 =	vld.idx.msk [tilespmem:v1+s4+$0x0], $0xffff;
	v1 =	vtrunc.f32 v13  }
0x2d6: {  	v12 =	vld.idx.msk [tilespmem:v4+s4+$0x0], $0xffff;
	v1 =	vcvt.f32.s32 v1;
	v4 =	vtrunc.f32 v14;
	[tilespmem:s24+$0x0] =	vst v0  }
0x2d7: {  	v13 =	vld.idx.msk [tilespmem:v2+s4+$0x0], $0xffff;
	v0 =	vcvt.f32.s32 v4;
	v2 =	vtrunc.f32 v15  }
0x2d8: {  	v4 =	vtrunc.f32 v16;
	v14 =	vld.idx.msk [tilespmem:v3+s4+$0x0], $0xffff;
	v15 =	vcvt.f32.s32 v2  }
0x2d9: {  	v3 =	vcvt.f32.s32 v4;
	v16 =	vld.idx.msk [tilespmem:v5+s4+$0x0], $0xffff  }
0x2da: {  	v18 =	vld.idx.msk [tilespmem:v6+s4+$0x0], $0xffff  }
0x2db: {  	v8 =	vld.idx.msk [tilespmem:v8+s4+$0x0], $0xffff  }
0x2dc: {  	v9 =	vld.idx.msk [tilespmem:v9+s4+$0x0], $0xffff  }
0x2dd: {  	v4 =	vld.idx.msk [tilespmem:v10+s4+$0x0], $0xffff  }
0x2de: {  	v2 =	vld.idx.msk [tilespmem:v11+s4+$0x0], $0xffff  }
0x2df: {  	v5 =	vld.idx.msk [tilespmem:v3+s4+$0x0], $0xffff  }
0x2e0: {  	v3 =	vld.idx.msk [tilespmem:v1+s4+$0x0], $0xffff  }
0x2e1: {  	v1 =	vld.idx.msk [tilespmem:v0+s4+$0x0], $0xffff  }
0x2e2: {  	v0 =	vld.idx.msk [tilespmem:v15+s4+$0x0], $0xffff  }
0x2e3: {  	v6 =	vld [tilespmem:s24+$0xFFFFFF10]  }
0x2e4: {  	v10 =	vld [tilespmem:s24+$0xFFFFFF20]  }
0x2e5: {  	v11 =	vld [tilespmem:s24+$0xFFFFFF30]  }
0x2e6: {  	v15 =	vld [tilespmem:s24+$0xFFFFFF40]  }
0x2e7: {  	v19 =	vld [tilespmem:s24+$0xFFFFFF50]  }
0x2e8: {  	v5 =	vadd.f32 v6, v5;
	v6 =	vld [tilespmem:s24+$0xFFFFFF60]  }
0x2e9: {  	v10 =	vadd.f32 v10, v17;
	v17 =	vld [tilespmem:s24+$0xFFFFFF70]  }
0x2ea: {  	[tilespmem:s24+$0xFFFFFF10] =	vst v5;
	v5 =	vadd.f32 v11, v7;
	v7 =	vld [tilespmem:s24+$0xFFFFFF80]  }
0x2eb: {  	[tilespmem:s24+$0xFFFFFF20] =	vst v10;
	v10 =	vadd.f32 v15, v12;
	v11 =	vld [tilespmem:s24+$0xFFFFFF90]  }
0x2ec: {  	[tilespmem:s24+$0xFFFFFF30] =	vst v5;
	v12 =	vadd.f32 v19, v13;
	v13 =	vld [tilespmem:s24+$0xFFFFFFA0]  }
.Ltmp7:
0x2ed: {  	[tilespmem:s24+$0xFFFFFF40] =	vst v10;
	v10 =	vadd.f32 v6, v14;
	v5 =	vld [tilespmem:s24+$0xFFFFFFB0];
	(pc) =	sbr.rel @p1 .LBB2_17-.Ltmp7, $4  }
0x2ee: {  	[tilespmem:s24+$0xFFFFFF50] =	vst v12;
	v12 =	vadd.f32 v17, v16;
	v6 =	vld [tilespmem:s24+$0xFFFFFFC0]  }
0x2ef: {  	[tilespmem:s24+$0xFFFFFF60] =	vst v10;
	v10 =	vadd.f32 v7, v18;
	v7 =	vld [tilespmem:s24+$0xFFFFFFD0]  }
0x2f0: {  	[tilespmem:s24+$0xFFFFFF70] =	vst v12;
	v11 =	vadd.f32 v11, v8;
	v8 =	vld [tilespmem:s24+$0xFFFFFFE0]  }
0x2f1: {  	s26 =	sadd.s32 $0x100, s26;
	[tilespmem:s24+$0xFFFFFF80] =	vst v10;
	v10 =	vadd.f32 v13, v9;
	v9 =	vld [tilespmem:s24+$0xFFFFFFF0]  }
0x2f2: {  	[tilespmem:s24+$0xFFFFFF90] =	vst v11;
	v4 =	vadd.f32 v5, v4;
	s23 =	sadd.s32 $0x1, s23  }
0x2f3: {  	[tilespmem:s24+$0xFFFFFFA0] =	vst v10;
	v2 =	vadd.f32 v6, v2;
	p1 =	sne.s32 s23, $0x1A  }
.Ltmp8:
0x2f4: {  	[tilespmem:s24+$0xFFFFFFB0] =	vst v4;
	v3 =	vadd.f32 v7, v3;
	(pc) =	sbr.rel @p1 .LBB2_10-.Ltmp8, $4  }
0x2f5: {  	[tilespmem:s24+$0xFFFFFFC0] =	vst v2;
	v1 =	vadd.f32 v8, v1  }
0x2f6: {  	[tilespmem:s24+$0xFFFFFFD0] =	vst v3;
	v0 =	vadd.f32 v9, v0  }
0x2f7: {  	[tilespmem:s24+$0xFFFFFFE0] =	vst v1  }
0x2f8: {  	[tilespmem:s24+$0xFFFFFFF0] =	vst v0  }
0x2f9: {  	[hbm4b:s10+s14] =	stream.strided.scatter [tilespmem:s20], [sflag:$0x3], $0x4000, s15, s14, $0x38;
	[tilespmem:$0x1E700] =	vst v63  }
0x2fa: {  	_ =	swait.ge [sflag:s21], $0x4000  }
0x2fb: {  	s23 =	simm.s32 @!p0 $0x80;
	s24 =	simm.s32 @!p0 $0x400;
	[sflag:s21] =	ssyncset.done $0x0  }
0x2fc: {  	s25 =	simm.s32 @!p0 $0x18700;
	s26 =	simm.s32 @!p0 $0x3;
	[sflag:s21] =	ssyncadd.s32 $0xFFFFC000  }
0x2fd: {  	[tilespmem:s25], [sflag:$0x3] =	stream.strided.gather @!p0 [hbm4b:s11+s23], $0x4000, s24, s23, $0x38;
	[tilespmem:$0x1E700] =	vst v63  }
0x2fe: {  	s22 =	sadd.s32 $0x1, s22;
	_ =	swait.ge @!p0 [sflag:s26], $0x4000  }
0x2ff: {  	p1 =	sne.s32 s22, s13;
	[sflag:s26] =	ssyncset.done @!p0 $0x0  }
.Ltmp9:
0x300: {  	[sflag:s26] =	ssyncadd.s32 @!p0 $0xFFFFC000;
	(pc) =	sbr.rel @p1 .LBB2_1-.Ltmp9, $4  }
0x301: {  	[hbm4b:s12+s23] =	stream.strided.scatter @!p0 [tilespmem:s25], [sflag:$0x3], $0x4000, s24, s23, $0x38;
	[tilespmem:$0x1E700] =	vst v63  }
0x302: {  	_ =	swait.ge @!p0 [sflag:s26], $0x4000  }
0x303: {  	[sflag:s26] =	ssyncset.done @!p0 $0x0  }
0x304: {  	[sflag:s26] =	ssyncadd.s32 @!p0 $0xFFFFC000  }
0x305: {  	_ =	sfence.sel $0x180000  }
0x306: {  	[bflag:$0x0] =	sbarrier.arrive $0xFFFF  }
0x307: {  	p0 =	sne.s32 s1, $0x0;
	_ =	strace $0x90000047  }
0x308: {  	s0 =	sadd.s32 @!p0 $0x100000, s0;
	[bflag:$0x2] =	sbarrier.arrive $0xFFFF  }
0x309: {  	[sflag:s0] =	ssyncadd.tile.s32 @!p0 $0x1;
	_ =	shalt  }
.Lfunc_end2:
_tile_overlayer_lowered:
.L_overlay_start_2:
0x30a: {  	(tag) =	ssettag $0x2  }
0x30b: {  	s0 =	rddreg [dreg:$0x0];
	s2 =	stileid.u32  }
0x30c: {  	s1 =	rddreg [dreg:$0x1];
	p0 =	sne.s32 s2, $0x0  }
0x30d: {  	s3 =	rddreg [dreg:$0x2];
	[bflag:$0x3] =	sbarrier.arrive $0xFFFF;
	s2 =	simm.s32 @!p0 $0x1C03  }
0x30e: {  	[timem:s3], [sflag:s2] =	dma.local @!p0 [hbm:s0], s1  }
0x30f: {  	s0 =	simm.s32 @!p0 $0x3  }
0x310: {  	_ =	swait.ge @!p0 [sflag:s0], s1  }
0x311: {  	s1 =	ssub.s32 @!p0 $0x0, s1;
	[sflag:s0] =	ssyncset.done @!p0 $0x0  }
0x312: {  	[sflag:s0] =	ssyncadd.s32 @!p0 s1  }
0x313: {  	[bflag:$0x3] =	sbarrier.arrive $0xFFFF  }
0x314: {  	_ =	shalt  }

</sc_bundles>
